<compile_context>
chip_gen: v7x
topology: tpu7x:2x2x1
jax: 0.10.2.dev20260603
libtpu: 0.0.44.dev20260713+nightly
codegen_flags: <defaults>
</compile_context>

<pallas_src>
import functools
import math

import jax
import jax.numpy as jnp
from jax import lax
from jax.experimental import pallas as pl
from jax.experimental.pallas import tpu as pltpu
from jax.experimental.pallas import tpu_sc as plsc

D = 32
SCALE = math.sqrt(32.0)
NC, NS = 2, 16
NW = NC * NS
B = 4096 * 200
BPW = B // NW
SUB = 128
C = 1280
NSUB = C // SUB
NCHUNK = BPW // C

_mesh = plsc.VectorSubcoreMesh(core_axis_name="c", subcore_axis_name="s")


@functools.partial(
    pl.kernel,
    mesh=_mesh,
    out_type=jax.ShapeDtypeStruct((B, D), jnp.float32),
    compiler_params=pltpu.CompilerParams(use_tc_tiling_on_sc=False),
    scratch_types=[
        pltpu.VMEM((BPW,), jnp.int32),
        pltpu.VMEM((2 * C, D), jnp.float32),
        pltpu.SemaphoreType.DMA,
        pltpu.SemaphoreType.DMA,
    ],
)
def _embed_sc(tok_hbm, table_hbm, out_hbm, idx_v, rows_v, gsem0, gsem1):
    wid = lax.axis_index("s") * NC + lax.axis_index("c")
    tok0 = wid * BPW
    out_row0 = wid * BPW
    sems = (gsem0, gsem1)

    pltpu.sync_copy(tok_hbm.at[pl.ds(tok0, BPW)], idx_v)

    def fire(g, b):
        for j in range(NSUB):
            pltpu.make_async_copy(
                table_hbm.at[idx_v.at[pl.ds(g * C + j * SUB, SUB)]],
                rows_v.at[pl.ds(b * C + j * SUB, SUB)],
                sems[b],
            ).start()

    def drain(b):
        pltpu.make_async_copy(
            out_hbm.at[pl.ds(0, C)],
            rows_v.at[pl.ds(b * C, C)],
            sems[b],
        ).wait()

    def scale(b):
        def scale_body(i, _):
            r0 = b * C + i * 8
            for rr in range(8):
                for h in (0, 16):
                    rows_v[r0 + rr, pl.ds(h, 16)] = (
                        rows_v[r0 + rr, pl.ds(h, 16)] * SCALE
                    )
            return 0

        lax.fori_loop(0, C // 8, scale_body, 0)

    def write(g, b):
        pltpu.sync_copy(
            rows_v.at[pl.ds(b * C, C)],
            out_hbm.at[pl.ds(out_row0 + g * C, C)],
        )

    fire(0, 0)

    def body(i, _):
        g0 = 2 * i
        fire(g0 + 1, 1)
        drain(0)
        scale(0)
        write(g0, 0)
        fire(g0 + 2, 0)
        drain(1)
        scale(1)
        write(g0 + 1, 1)
        return 0

    lax.fori_loop(0, NCHUNK // 2 - 1, body, 0)

    fire(NCHUNK - 1, 1)
    drain(0)
    scale(0)
    write(NCHUNK - 2, 0)
    drain(1)
    scale(1)
    write(NCHUNK - 1, 1)


def kernel(tokens, table):
    tok = tokens.astype(jnp.int32).reshape(-1)
    out = _embed_sc(tok, table)
    return out.reshape(tokens.shape[0], tokens.shape[1], D)

# --- scband reference (transcript-rebuilt; emitter-appended) ---
"""Pipeline reference for scband-token-embedding-17978733101116 (READ-ONLY COPY).

The authoritative reference and input builder live on the scoring server;
editing this copy changes nothing except your own understanding.
"""

import jax, jax.numpy as jnp
import numpy as np
import math

VOCAB_SIZE = 1000000
EMBED_SIZE = 32
PAD_TOKEN = 0

def setup_inputs(seed: int = 0) -> dict:
    key = jax.random.key(seed)
    k1, k2 = jax.random.split(key)
    tokens = jax.random.randint(k1, (4096, 200), 0, VOCAB_SIZE, dtype=jnp.int64 if jax.config.jax_enable_x64 else jnp.int32)
    table = jax.random.normal(k2, (VOCAB_SIZE, EMBED_SIZE), dtype=jnp.float32)
    # nn.Embedding with padding_idx zeroes the padding row
    table = table.at[PAD_TOKEN].set(0.0)
    return {"tokens": tokens, "table": table}

def reference(tokens, table):
    # TokenEmbedding.forward: embedding(tokens) * sqrt(embed_size)
    emb = jnp.take(table, tokens, axis=0)
    return emb * math.sqrt(EMBED_SIZE)

if __name__ == "__main__":
    import jax
    _d = setup_inputs()
    print(jax.jit(kernel)(*tuple(_d.values())))

</pallas_src>

<mosaic_0001>
#map = affine_map<(d0, d1) -> (0)>
#map1 = affine_map<(d0, d1) -> (0, 0)>
module attributes {stable_mosaic.version = 14 : i64} {
  func.func @_embed_sc(%arg0: i32, %arg1: i32, %arg2: memref<819200xi32, #tpu.memory_space<hbm>>, %arg3: memref<1000000x32xf32, #tpu.memory_space<hbm>>, %arg4: memref<819200x32xf32, #tpu.memory_space<hbm>>, %arg5: memref<25600xi32, #tpu.memory_space<vmem>>, %arg6: memref<2560x32xf32, #tpu.memory_space<vmem>>, %arg7: memref<!tpu.dma_semaphore, #tpu.memory_space<semaphore_mem>>, %arg8: memref<!tpu.dma_semaphore, #tpu.memory_space<semaphore_mem>>) attributes {dimension_semantics = [#tpu.dimension_semantics<core_parallel>, #tpu.dimension_semantics<subcore_parallel>], iteration_bounds = array<i64: 2, 16>, scalar_prefetch = 0 : i64, scratch_operands = 4 : i64, tpu.core_type = #tpu.core_type<sc_vector_subcore>, window_params = [{transform_indices = #map}, {transform_indices = #map1}, {transform_indices = #map1}]} {
    %mul3A = arith.constant 2 : i32
    %mul3A_0 = arith.muli %arg1, %mul3A : i32
    %add3A = arith.addi %mul3A_0, %arg0 : i32
    %mul3A_1 = arith.constant 25600 : i32
    %mul3A_2 = arith.muli %add3A, %mul3A_1 : i32
    %mul3A_3 = arith.constant 25600 : i32
    %mul3A_4 = arith.muli %add3A, %mul3A_3 : i32
    "tpu.region"() ({
      %run_scoped3A = tpu.sem_alloc : memref<!tpu.dma_semaphore, #tpu.memory_space<semaphore_mem>>
      %dma_start3A_211 = tpu.memref_slice %arg2[%mul3A_2] : memref<819200xi32, #tpu.memory_space<hbm>> -> memref<25600xi32, #tpu.memory_space<hbm>>
      %dma_start3A_212 = tpu.memref_slice %arg2[%mul3A_2] : memref<819200xi32, #tpu.memory_space<hbm>> -> memref<25600xi32, #tpu.memory_space<hbm>>
      tpu.enqueue_dma source(%dma_start3A_212 : memref<25600xi32, #tpu.memory_space<hbm>>) target(%arg5 : memref<25600xi32, #tpu.memory_space<vmem>>) target_semaphore(%run_scoped3A : memref<!tpu.dma_semaphore, #tpu.memory_space<semaphore_mem>>)
      %dma_wait3A_213 = tpu.memref_slice %arg2[%mul3A_2] : memref<819200xi32, #tpu.memory_space<hbm>> -> memref<25600xi32, #tpu.memory_space<hbm>>
      %dma_wait3A_214 = tpu.memref_slice %arg2[%mul3A_2] : memref<819200xi32, #tpu.memory_space<hbm>> -> memref<25600xi32, #tpu.memory_space<hbm>>
      tpu.wait_dma2 semaphore(%run_scoped3A : memref<!tpu.dma_semaphore, #tpu.memory_space<semaphore_mem>>) src(%dma_wait3A_214 : memref<25600xi32, #tpu.memory_space<hbm>>) dst(%arg5 : memref<25600xi32, #tpu.memory_space<vmem>>)
      tpu.yield
    }) : () -> ()
    %dma_start3A = arith.constant 0 : i32
    %dma_start3A_5 = arith.constant 0 : i32
    %dma_start3A_6 = tpu.memref_slice %arg6[%dma_start3A, %dma_start3A_5] : memref<2560x32xf32, #tpu.memory_space<vmem>> -> memref<128x32xf32, #tpu.memory_space<vmem>>
    %dma_start3A_7 = arith.constant 0 : i32
    %dma_start3A_8 = tpu.memref_slice %arg5[%dma_start3A_7] : memref<25600xi32, #tpu.memory_space<vmem>> -> memref<128xi32, #tpu.memory_space<vmem>>
    %dma_start3A_9 = arith.constant 0 : i32
    %dma_start3A_10 = arith.constant 0 : i32
    %dma_start3A_11 = tpu.memref_slice %arg3[%dma_start3A_9, %dma_start3A_10] : memref<1000000x32xf32, #tpu.memory_space<hbm>> -> memref<1000000x32xf32, #tpu.memory_space<hbm>>
    tpu.enqueue_indirect_dma source(%dma_start3A_11 : memref<1000000x32xf32, #tpu.memory_space<hbm>>) target(%dma_start3A_6 : memref<128x32xf32, #tpu.memory_space<vmem>>) offsets(%dma_start3A_8 : memref<128xi32, #tpu.memory_space<vmem>>) semaphore(%arg7 : memref<!tpu.dma_semaphore, #tpu.memory_space<semaphore_mem>>)
    %dma_start3A_12 = arith.constant 128 : i32
    %dma_start3A_13 = arith.constant 0 : i32
    %dma_start3A_14 = tpu.memref_slice %arg6[%dma_start3A_12, %dma_start3A_13] : memref<2560x32xf32, #tpu.memory_space<vmem>> -> memref<128x32xf32, #tpu.memory_space<vmem>>
    %dma_start3A_15 = arith.constant 128 : i32
    %dma_start3A_16 = tpu.memref_slice %arg5[%dma_start3A_15] : memref<25600xi32, #tpu.memory_space<vmem>> -> memref<128xi32, #tpu.memory_space<vmem>>
    %dma_start3A_17 = arith.constant 0 : i32
    %dma_start3A_18 = arith.constant 0 : i32
    %dma_start3A_19 = tpu.memref_slice %arg3[%dma_start3A_17, %dma_start3A_18] : memref<1000000x32xf32, #tpu.memory_space<hbm>> -> memref<1000000x32xf32, #tpu.memory_space<hbm>>
    tpu.enqueue_indirect_dma source(%dma_start3A_19 : memref<1000000x32xf32, #tpu.memory_space<hbm>>) target(%dma_start3A_14 : memref<128x32xf32, #tpu.memory_space<vmem>>) offsets(%dma_start3A_16 : memref<128xi32, #tpu.memory_space<vmem>>) semaphore(%arg7 : memref<!tpu.dma_semaphore, #tpu.memory_space<semaphore_mem>>)
    %dma_start3A_20 = arith.constant 256 : i32
    %dma_start3A_21 = arith.constant 0 : i32
    %dma_start3A_22 = tpu.memref_slice %arg6[%dma_start3A_20, %dma_start3A_21] : memref<2560x32xf32, #tpu.memory_space<vmem>> -> memref<128x32xf32, #tpu.memory_space<vmem>>
    %dma_start3A_23 = arith.constant 256 : i32
    %dma_start3A_24 = tpu.memref_slice %arg5[%dma_start3A_23] : memref<25600xi32, #tpu.memory_space<vmem>> -> memref<128xi32, #tpu.memory_space<vmem>>
    %dma_start3A_25 = arith.constant 0 : i32
    %dma_start3A_26 = arith.constant 0 : i32
    %dma_start3A_27 = tpu.memref_slice %arg3[%dma_start3A_25, %dma_start3A_26] : memref<1000000x32xf32, #tpu.memory_space<hbm>> -> memref<1000000x32xf32, #tpu.memory_space<hbm>>
    tpu.enqueue_indirect_dma source(%dma_start3A_27 : memref<1000000x32xf32, #tpu.memory_space<hbm>>) target(%dma_start3A_22 : memref<128x32xf32, #tpu.memory_space<vmem>>) offsets(%dma_start3A_24 : memref<128xi32, #tpu.memory_space<vmem>>) semaphore(%arg7 : memref<!tpu.dma_semaphore, #tpu.memory_space<semaphore_mem>>)
    %dma_start3A_28 = arith.constant 384 : i32
    %dma_start3A_29 = arith.constant 0 : i32
    %dma_start3A_30 = tpu.memref_slice %arg6[%dma_start3A_28, %dma_start3A_29] : memref<2560x32xf32, #tpu.memory_space<vmem>> -> memref<128x32xf32, #tpu.memory_space<vmem>>
    %dma_start3A_31 = arith.constant 384 : i32
    %dma_start3A_32 = tpu.memref_slice %arg5[%dma_start3A_31] : memref<25600xi32, #tpu.memory_space<vmem>> -> memref<128xi32, #tpu.memory_space<vmem>>
    %dma_start3A_33 = arith.constant 0 : i32
    %dma_start3A_34 = arith.constant 0 : i32
    %dma_start3A_35 = tpu.memref_slice %arg3[%dma_start3A_33, %dma_start3A_34] : memref<1000000x32xf32, #tpu.memory_space<hbm>> -> memref<1000000x32xf32, #tpu.memory_space<hbm>>
    tpu.enqueue_indirect_dma source(%dma_start3A_35 : memref<1000000x32xf32, #tpu.memory_space<hbm>>) target(%dma_start3A_30 : memref<128x32xf32, #tpu.memory_space<vmem>>) offsets(%dma_start3A_32 : memref<128xi32, #tpu.memory_space<vmem>>) semaphore(%arg7 : memref<!tpu.dma_semaphore, #tpu.memory_space<semaphore_mem>>)
    %dma_start3A_36 = arith.constant 512 : i32
    %dma_start3A_37 = arith.constant 0 : i32
    %dma_start3A_38 = tpu.memref_slice %arg6[%dma_start3A_36, %dma_start3A_37] : memref<2560x32xf32, #tpu.memory_space<vmem>> -> memref<128x32xf32, #tpu.memory_space<vmem>>
    %dma_start3A_39 = arith.constant 512 : i32
    %dma_start3A_40 = tpu.memref_slice %arg5[%dma_start3A_39] : memref<25600xi32, #tpu.memory_space<vmem>> -> memref<128xi32, #tpu.memory_space<vmem>>
    %dma_start3A_41 = arith.constant 0 : i32
    %dma_start3A_42 = arith.constant 0 : i32
    %dma_start3A_43 = tpu.memref_slice %arg3[%dma_start3A_41, %dma_start3A_42] : memref<1000000x32xf32, #tpu.memory_space<hbm>> -> memref<1000000x32xf32, #tpu.memory_space<hbm>>
    tpu.enqueue_indirect_dma source(%dma_start3A_43 : memref<1000000x32xf32, #tpu.memory_space<hbm>>) target(%dma_start3A_38 : memref<128x32xf32, #tpu.memory_space<vmem>>) offsets(%dma_start3A_40 : memref<128xi32, #tpu.memory_space<vmem>>) semaphore(%arg7 : memref<!tpu.dma_semaphore, #tpu.memory_space<semaphore_mem>>)
    %dma_start3A_44 = arith.constant 640 : i32
    %dma_start3A_45 = arith.constant 0 : i32
    %dma_start3A_46 = tpu.memref_slice %arg6[%dma_start3A_44, %dma_start3A_45] : memref<2560x32xf32, #tpu.memory_space<vmem>> -> memref<128x32xf32, #tpu.memory_space<vmem>>
    %dma_start3A_47 = arith.constant 640 : i32
    %dma_start3A_48 = tpu.memref_slice %arg5[%dma_start3A_47] : memref<25600xi32, #tpu.memory_space<vmem>> -> memref<128xi32, #tpu.memory_space<vmem>>
    %dma_start3A_49 = arith.constant 0 : i32
    %dma_start3A_50 = arith.constant 0 : i32
    %dma_start3A_51 = tpu.memref_slice %arg3[%dma_start3A_49, %dma_start3A_50] : memref<1000000x32xf32, #tpu.memory_space<hbm>> -> memref<1000000x32xf32, #tpu.memory_space<hbm>>
    tpu.enqueue_indirect_dma source(%dma_start3A_51 : memref<1000000x32xf32, #tpu.memory_space<hbm>>) target(%dma_start3A_46 : memref<128x32xf32, #tpu.memory_space<vmem>>) offsets(%dma_start3A_48 : memref<128xi32, #tpu.memory_space<vmem>>) semaphore(%arg7 : memref<!tpu.dma_semaphore, #tpu.memory_space<semaphore_mem>>)
    %dma_start3A_52 = arith.constant 768 : i32
    %dma_start3A_53 = arith.constant 0 : i32
    %dma_start3A_54 = tpu.memref_slice %arg6[%dma_start3A_52, %dma_start3A_53] : memref<2560x32xf32, #tpu.memory_space<vmem>> -> memref<128x32xf32, #tpu.memory_space<vmem>>
    %dma_start3A_55 = arith.constant 768 : i32
    %dma_start3A_56 = tpu.memref_slice %arg5[%dma_start3A_55] : memref<25600xi32, #tpu.memory_space<vmem>> -> memref<128xi32, #tpu.memory_space<vmem>>
    %dma_start3A_57 = arith.constant 0 : i32
    %dma_start3A_58 = arith.constant 0 : i32
    %dma_start3A_59 = tpu.memref_slice %arg3[%dma_start3A_57, %dma_start3A_58] : memref<1000000x32xf32, #tpu.memory_space<hbm>> -> memref<1000000x32xf32, #tpu.memory_space<hbm>>
    tpu.enqueue_indirect_dma source(%dma_start3A_59 : memref<1000000x32xf32, #tpu.memory_space<hbm>>) target(%dma_start3A_54 : memref<128x32xf32, #tpu.memory_space<vmem>>) offsets(%dma_start3A_56 : memref<128xi32, #tpu.memory_space<vmem>>) semaphore(%arg7 : memref<!tpu.dma_semaphore, #tpu.memory_space<semaphore_mem>>)
    %dma_start3A_60 = arith.constant 896 : i32
    %dma_start3A_61 = arith.constant 0 : i32
    %dma_start3A_62 = tpu.memref_slice %arg6[%dma_start3A_60, %dma_start3A_61] : memref<2560x32xf32, #tpu.memory_space<vmem>> -> memref<128x32xf32, #tpu.memory_space<vmem>>
    %dma_start3A_63 = arith.constant 896 : i32
    %dma_start3A_64 = tpu.memref_slice %arg5[%dma_start3A_63] : memref<25600xi32, #tpu.memory_space<vmem>> -> memref<128xi32, #tpu.memory_space<vmem>>
    %dma_start3A_65 = arith.constant 0 : i32
    %dma_start3A_66 = arith.constant 0 : i32
    %dma_start3A_67 = tpu.memref_slice %arg3[%dma_start3A_65, %dma_start3A_66] : memref<1000000x32xf32, #tpu.memory_space<hbm>> -> memref<1000000x32xf32, #tpu.memory_space<hbm>>
    tpu.enqueue_indirect_dma source(%dma_start3A_67 : memref<1000000x32xf32, #tpu.memory_space<hbm>>) target(%dma_start3A_62 : memref<128x32xf32, #tpu.memory_space<vmem>>) offsets(%dma_start3A_64 : memref<128xi32, #tpu.memory_space<vmem>>) semaphore(%arg7 : memref<!tpu.dma_semaphore, #tpu.memory_space<semaphore_mem>>)
    %dma_start3A_68 = arith.constant 1024 : i32
    %dma_start3A_69 = arith.constant 0 : i32
    %dma_start3A_70 = tpu.memref_slice %arg6[%dma_start3A_68, %dma_start3A_69] : memref<2560x32xf32, #tpu.memory_space<vmem>> -> memref<128x32xf32, #tpu.memory_space<vmem>>
    %dma_start3A_71 = arith.constant 1024 : i32
    %dma_start3A_72 = tpu.memref_slice %arg5[%dma_start3A_71] : memref<25600xi32, #tpu.memory_space<vmem>> -> memref<128xi32, #tpu.memory_space<vmem>>
    %dma_start3A_73 = arith.constant 0 : i32
    %dma_start3A_74 = arith.constant 0 : i32
    %dma_start3A_75 = tpu.memref_slice %arg3[%dma_start3A_73, %dma_start3A_74] : memref<1000000x32xf32, #tpu.memory_space<hbm>> -> memref<1000000x32xf32, #tpu.memory_space<hbm>>
    tpu.enqueue_indirect_dma source(%dma_start3A_75 : memref<1000000x32xf32, #tpu.memory_space<hbm>>) target(%dma_start3A_70 : memref<128x32xf32, #tpu.memory_space<vmem>>) offsets(%dma_start3A_72 : memref<128xi32, #tpu.memory_space<vmem>>) semaphore(%arg7 : memref<!tpu.dma_semaphore, #tpu.memory_space<semaphore_mem>>)
    %dma_start3A_76 = arith.constant 1152 : i32
    %dma_start3A_77 = arith.constant 0 : i32
    %dma_start3A_78 = tpu.memref_slice %arg6[%dma_start3A_76, %dma_start3A_77] : memref<2560x32xf32, #tpu.memory_space<vmem>> -> memref<128x32xf32, #tpu.memory_space<vmem>>
    %dma_start3A_79 = arith.constant 1152 : i32
    %dma_start3A_80 = tpu.memref_slice %arg5[%dma_start3A_79] : memref<25600xi32, #tpu.memory_space<vmem>> -> memref<128xi32, #tpu.memory_space<vmem>>
    %dma_start3A_81 = arith.constant 0 : i32
    %dma_start3A_82 = arith.constant 0 : i32
    %dma_start3A_83 = tpu.memref_slice %arg3[%dma_start3A_81, %dma_start3A_82] : memref<1000000x32xf32, #tpu.memory_space<hbm>> -> memref<1000000x32xf32, #tpu.memory_space<hbm>>
    tpu.enqueue_indirect_dma source(%dma_start3A_83 : memref<1000000x32xf32, #tpu.memory_space<hbm>>) target(%dma_start3A_78 : memref<128x32xf32, #tpu.memory_space<vmem>>) offsets(%dma_start3A_80 : memref<128xi32, #tpu.memory_space<vmem>>) semaphore(%arg7 : memref<!tpu.dma_semaphore, #tpu.memory_space<semaphore_mem>>)
    %scan3A = arith.constant 0 : i32
    %scan3A_84 = arith.constant 0 : i32
    %scan3A_85 = arith.constant 9 : i32
    %scan3A_86 = arith.addi %scan3A_84, %scan3A_85 : i32
    %scan3A_87 = arith.constant 1 : i32
    %scan3A_88 = scf.for %scan3A_211 = %scan3A_84 to %scan3A_86 step %scan3A_87 iter_args(%scan3A_212 = %scan3A) -> (i32)  : i32 {
      %mul3A_213 = arith.constant 2 : i32
      %mul3A_214 = arith.muli %mul3A_213, %scan3A_211 : i32
      %add3A_215 = arith.constant 1 : i32
      %add3A_216 = arith.addi %mul3A_214, %add3A_215 : i32
      %mul3A_217 = arith.constant 1280 : i32
      %mul3A_218 = arith.muli %add3A_216, %mul3A_217 : i32
      %add3A_219 = arith.constant 0 : i32
      %add3A_220 = arith.addi %mul3A_218, %add3A_219 : i32
      %dma_start3A_221 = arith.constant 1280 : i32
      %dma_start3A_222 = arith.constant 0 : i32
      %dma_start3A_223 = tpu.memref_slice %arg6[%dma_start3A_221, %dma_start3A_222] : memref<2560x32xf32, #tpu.memory_space<vmem>> -> memref<128x32xf32, #tpu.memory_space<vmem>>
      %dma_start3A_224 = tpu.memref_slice %arg5[%add3A_220] : memref<25600xi32, #tpu.memory_space<vmem>> -> memref<128xi32, #tpu.memory_space<vmem>>
      %dma_start3A_225 = arith.constant 0 : i32
      %dma_start3A_226 = arith.constant 0 : i32
      %dma_start3A_227 = tpu.memref_slice %arg3[%dma_start3A_225, %dma_start3A_226] : memref<1000000x32xf32, #tpu.memory_space<hbm>> -> memref<1000000x32xf32, #tpu.memory_space<hbm>>
      tpu.enqueue_indirect_dma source(%dma_start3A_227 : memref<1000000x32xf32, #tpu.memory_space<hbm>>) target(%dma_start3A_223 : memref<128x32xf32, #tpu.memory_space<vmem>>) offsets(%dma_start3A_224 : memref<128xi32, #tpu.memory_space<vmem>>) semaphore(%arg8 : memref<!tpu.dma_semaphore, #tpu.memory_space<semaphore_mem>>)
      %mul3A_228 = arith.constant 1280 : i32
      %mul3A_229 = arith.muli %add3A_216, %mul3A_228 : i32
      %add3A_230 = arith.constant 128 : i32
      %add3A_231 = arith.addi %mul3A_229, %add3A_230 : i32
      %dma_start3A_232 = arith.constant 1408 : i32
      %dma_start3A_233 = arith.constant 0 : i32
      %dma_start3A_234 = tpu.memref_slice %arg6[%dma_start3A_232, %dma_start3A_233] : memref<2560x32xf32, #tpu.memory_space<vmem>> -> memref<128x32xf32, #tpu.memory_space<vmem>>
      %dma_start3A_235 = tpu.memref_slice %arg5[%add3A_231] : memref<25600xi32, #tpu.memory_space<vmem>> -> memref<128xi32, #tpu.memory_space<vmem>>
      %dma_start3A_236 = arith.constant 0 : i32
      %dma_start3A_237 = arith.constant 0 : i32
      %dma_start3A_238 = tpu.memref_slice %arg3[%dma_start3A_236, %dma_start3A_237] : memref<1000000x32xf32, #tpu.memory_space<hbm>> -> memref<1000000x32xf32, #tpu.memory_space<hbm>>
      tpu.enqueue_indirect_dma source(%dma_start3A_238 : memref<1000000x32xf32, #tpu.memory_space<hbm>>) target(%dma_start3A_234 : memref<128x32xf32, #tpu.memory_space<vmem>>) offsets(%dma_start3A_235 : memref<128xi32, #tpu.memory_space<vmem>>) semaphore(%arg8 : memref<!tpu.dma_semaphore, #tpu.memory_space<semaphore_mem>>)
      %mul3A_239 = arith.constant 1280 : i32
      %mul3A_240 = arith.muli %add3A_216, %mul3A_239 : i32
      %add3A_241 = arith.constant 256 : i32
      %add3A_242 = arith.addi %mul3A_240, %add3A_241 : i32
      %dma_start3A_243 = arith.constant 1536 : i32
      %dma_start3A_244 = arith.constant 0 : i32
      %dma_start3A_245 = tpu.memref_slice %arg6[%dma_start3A_243, %dma_start3A_244] : memref<2560x32xf32, #tpu.memory_space<vmem>> -> memref<128x32xf32, #tpu.memory_space<vmem>>
      %dma_start3A_246 = tpu.memref_slice %arg5[%add3A_242] : memref<25600xi32, #tpu.memory_space<vmem>> -> memref<128xi32, #tpu.memory_space<vmem>>
      %dma_start3A_247 = arith.constant 0 : i32
      %dma_start3A_248 = arith.constant 0 : i32
      %dma_start3A_249 = tpu.memref_slice %arg3[%dma_start3A_247, %dma_start3A_248] : memref<1000000x32xf32, #tpu.memory_space<hbm>> -> memref<1000000x32xf32, #tpu.memory_space<hbm>>
      tpu.enqueue_indirect_dma source(%dma_start3A_249 : memref<1000000x32xf32, #tpu.memory_space<hbm>>) target(%dma_start3A_245 : memref<128x32xf32, #tpu.memory_space<vmem>>) offsets(%dma_start3A_246 : memref<128xi32, #tpu.memory_space<vmem>>) semaphore(%arg8 : memref<!tpu.dma_semaphore, #tpu.memory_space<semaphore_mem>>)
      %mul3A_250 = arith.constant 1280 : i32
      %mul3A_251 = arith.muli %add3A_216, %mul3A_250 : i32
      %add3A_252 = arith.constant 384 : i32
      %add3A_253 = arith.addi %mul3A_251, %add3A_252 : i32
      %dma_start3A_254 = arith.constant 1664 : i32
      %dma_start3A_255 = arith.constant 0 : i32
      %dma_start3A_256 = tpu.memref_slice %arg6[%dma_start3A_254, %dma_start3A_255] : memref<2560x32xf32, #tpu.memory_space<vmem>> -> memref<128x32xf32, #tpu.memory_space<vmem>>
      %dma_start3A_257 = tpu.memref_slice %arg5[%add3A_253] : memref<25600xi32, #tpu.memory_space<vmem>> -> memref<128xi32, #tpu.memory_space<vmem>>
      %dma_start3A_258 = arith.constant 0 : i32
      %dma_start3A_259 = arith.constant 0 : i32
      %dma_start3A_260 = tpu.memref_slice %arg3[%dma_start3A_258, %dma_start3A_259] : memref<1000000x32xf32, #tpu.memory_space<hbm>> -> memref<1000000x32xf32, #tpu.memory_space<hbm>>
      tpu.enqueue_indirect_dma source(%dma_start3A_260 : memref<1000000x32xf32, #tpu.memory_space<hbm>>) target(%dma_start3A_256 : memref<128x32xf32, #tpu.memory_space<vmem>>) offsets(%dma_start3A_257 : memref<128xi32, #tpu.memory_space<vmem>>) semaphore(%arg8 : memref<!tpu.dma_semaphore, #tpu.memory_space<semaphore_mem>>)
      %mul3A_261 = arith.constant 1280 : i32
      %mul3A_262 = arith.muli %add3A_216, %mul3A_261 : i32
      %add3A_263 = arith.constant 512 : i32
      %add3A_264 = arith.addi %mul3A_262, %add3A_263 : i32
      %dma_start3A_265 = arith.constant 1792 : i32
      %dma_start3A_266 = arith.constant 0 : i32
      %dma_start3A_267 = tpu.memref_slice %arg6[%dma_start3A_265, %dma_start3A_266] : memref<2560x32xf32, #tpu.memory_space<vmem>> -> memref<128x32xf32, #tpu.memory_space<vmem>>
      %dma_start3A_268 = tpu.memref_slice %arg5[%add3A_264] : memref<25600xi32, #tpu.memory_space<vmem>> -> memref<128xi32, #tpu.memory_space<vmem>>
      %dma_start3A_269 = arith.constant 0 : i32
      %dma_start3A_270 = arith.constant 0 : i32
      %dma_start3A_271 = tpu.memref_slice %arg3[%dma_start3A_269, %dma_start3A_270] : memref<1000000x32xf32, #tpu.memory_space<hbm>> -> memref<1000000x32xf32, #tpu.memory_space<hbm>>
      tpu.enqueue_indirect_dma source(%dma_start3A_271 : memref<1000000x32xf32, #tpu.memory_space<hbm>>) target(%dma_start3A_267 : memref<128x32xf32, #tpu.memory_space<vmem>>) offsets(%dma_start3A_268 : memref<128xi32, #tpu.memory_space<vmem>>) semaphore(%arg8 : memref<!tpu.dma_semaphore, #tpu.memory_space<semaphore_mem>>)
      %mul3A_272 = arith.constant 1280 : i32
      %mul3A_273 = arith.muli %add3A_216, %mul3A_272 : i32
      %add3A_274 = arith.constant 640 : i32
      %add3A_275 = arith.addi %mul3A_273, %add3A_274 : i32
      %dma_start3A_276 = arith.constant 1920 : i32
      %dma_start3A_277 = arith.constant 0 : i32
      %dma_start3A_278 = tpu.memref_slice %arg6[%dma_start3A_276, %dma_start3A_277] : memref<2560x32xf32, #tpu.memory_space<vmem>> -> memref<128x32xf32, #tpu.memory_space<vmem>>
      %dma_start3A_279 = tpu.memref_slice %arg5[%add3A_275] : memref<25600xi32, #tpu.memory_space<vmem>> -> memref<128xi32, #tpu.memory_space<vmem>>
      %dma_start3A_280 = arith.constant 0 : i32
      %dma_start3A_281 = arith.constant 0 : i32
      %dma_start3A_282 = tpu.memref_slice %arg3[%dma_start3A_280, %dma_start3A_281] : memref<1000000x32xf32, #tpu.memory_space<hbm>> -> memref<1000000x32xf32, #tpu.memory_space<hbm>>
      tpu.enqueue_indirect_dma source(%dma_start3A_282 : memref<1000000x32xf32, #tpu.memory_space<hbm>>) target(%dma_start3A_278 : memref<128x32xf32, #tpu.memory_space<vmem>>) offsets(%dma_start3A_279 : memref<128xi32, #tpu.memory_space<vmem>>) semaphore(%arg8 : memref<!tpu.dma_semaphore, #tpu.memory_space<semaphore_mem>>)
      %mul3A_283 = arith.constant 1280 : i32
      %mul3A_284 = arith.muli %add3A_216, %mul3A_283 : i32
      %add3A_285 = arith.constant 768 : i32
      %add3A_286 = arith.addi %mul3A_284, %add3A_285 : i32
      %dma_start3A_287 = arith.constant 2048 : i32
      %dma_start3A_288 = arith.constant 0 : i32
      %dma_start3A_289 = tpu.memref_slice %arg6[%dma_start3A_287, %dma_start3A_288] : memref<2560x32xf32, #tpu.memory_space<vmem>> -> memref<128x32xf32, #tpu.memory_space<vmem>>
      %dma_start3A_290 = tpu.memref_slice %arg5[%add3A_286] : memref<25600xi32, #tpu.memory_space<vmem>> -> memref<128xi32, #tpu.memory_space<vmem>>
      %dma_start3A_291 = arith.constant 0 : i32
      %dma_start3A_292 = arith.constant 0 : i32
      %dma_start3A_293 = tpu.memref_slice %arg3[%dma_start3A_291, %dma_start3A_292] : memref<1000000x32xf32, #tpu.memory_space<hbm>> -> memref<1000000x32xf32, #tpu.memory_space<hbm>>
      tpu.enqueue_indirect_dma source(%dma_start3A_293 : memref<1000000x32xf32, #tpu.memory_space<hbm>>) target(%dma_start3A_289 : memref<128x32xf32, #tpu.memory_space<vmem>>) offsets(%dma_start3A_290 : memref<128xi32, #tpu.memory_space<vmem>>) semaphore(%arg8 : memref<!tpu.dma_semaphore, #tpu.memory_space<semaphore_mem>>)
      %mul3A_294 = arith.constant 1280 : i32
      %mul3A_295 = arith.muli %add3A_216, %mul3A_294 : i32
      %add3A_296 = arith.constant 896 : i32
      %add3A_297 = arith.addi %mul3A_295, %add3A_296 : i32
      %dma_start3A_298 = arith.constant 2176 : i32
      %dma_start3A_299 = arith.constant 0 : i32
      %dma_start3A_300 = tpu.memref_slice %arg6[%dma_start3A_298, %dma_start3A_299] : memref<2560x32xf32, #tpu.memory_space<vmem>> -> memref<128x32xf32, #tpu.memory_space<vmem>>
      %dma_start3A_301 = tpu.memref_slice %arg5[%add3A_297] : memref<25600xi32, #tpu.memory_space<vmem>> -> memref<128xi32, #tpu.memory_space<vmem>>
      %dma_start3A_302 = arith.constant 0 : i32
      %dma_start3A_303 = arith.constant 0 : i32
      %dma_start3A_304 = tpu.memref_slice %arg3[%dma_start3A_302, %dma_start3A_303] : memref<1000000x32xf32, #tpu.memory_space<hbm>> -> memref<1000000x32xf32, #tpu.memory_space<hbm>>
      tpu.enqueue_indirect_dma source(%dma_start3A_304 : memref<1000000x32xf32, #tpu.memory_space<hbm>>) target(%dma_start3A_300 : memref<128x32xf32, #tpu.memory_space<vmem>>) offsets(%dma_start3A_301 : memref<128xi32, #tpu.memory_space<vmem>>) semaphore(%arg8 : memref<!tpu.dma_semaphore, #tpu.memory_space<semaphore_mem>>)
      %mul3A_305 = arith.constant 1280 : i32
      %mul3A_306 = arith.muli %add3A_216, %mul3A_305 : i32
      %add3A_307 = arith.constant 1024 : i32
      %add3A_308 = arith.addi %mul3A_306, %add3A_307 : i32
      %dma_start3A_309 = arith.constant 2304 : i32
      %dma_start3A_310 = arith.constant 0 : i32
      %dma_start3A_311 = tpu.memref_slice %arg6[%dma_start3A_309, %dma_start3A_310] : memref<2560x32xf32, #tpu.memory_space<vmem>> -> memref<128x32xf32, #tpu.memory_space<vmem>>
      %dma_start3A_312 = tpu.memref_slice %arg5[%add3A_308] : memref<25600xi32, #tpu.memory_space<vmem>> -> memref<128xi32, #tpu.memory_space<vmem>>
      %dma_start3A_313 = arith.constant 0 : i32
      %dma_start3A_314 = arith.constant 0 : i32
      %dma_start3A_315 = tpu.memref_slice %arg3[%dma_start3A_313, %dma_start3A_314] : memref<1000000x32xf32, #tpu.memory_space<hbm>> -> memref<1000000x32xf32, #tpu.memory_space<hbm>>
      tpu.enqueue_indirect_dma source(%dma_start3A_315 : memref<1000000x32xf32, #tpu.memory_space<hbm>>) target(%dma_start3A_311 : memref<128x32xf32, #tpu.memory_space<vmem>>) offsets(%dma_start3A_312 : memref<128xi32, #tpu.memory_space<vmem>>) semaphore(%arg8 : memref<!tpu.dma_semaphore, #tpu.memory_space<semaphore_mem>>)
      %mul3A_316 = arith.constant 1280 : i32
      %mul3A_317 = arith.muli %add3A_216, %mul3A_316 : i32
      %add3A_318 = arith.constant 1152 : i32
      %add3A_319 = arith.addi %mul3A_317, %add3A_318 : i32
      %dma_start3A_320 = arith.constant 2432 : i32
      %dma_start3A_321 = arith.constant 0 : i32
      %dma_start3A_322 = tpu.memref_slice %arg6[%dma_start3A_320, %dma_start3A_321] : memref<2560x32xf32, #tpu.memory_space<vmem>> -> memref<128x32xf32, #tpu.memory_space<vmem>>
      %dma_start3A_323 = tpu.memref_slice %arg5[%add3A_319] : memref<25600xi32, #tpu.memory_space<vmem>> -> memref<128xi32, #tpu.memory_space<vmem>>
      %dma_start3A_324 = arith.constant 0 : i32
      %dma_start3A_325 = arith.constant 0 : i32
      %dma_start3A_326 = tpu.memref_slice %arg3[%dma_start3A_324, %dma_start3A_325] : memref<1000000x32xf32, #tpu.memory_space<hbm>> -> memref<1000000x32xf32, #tpu.memory_space<hbm>>
      tpu.enqueue_indirect_dma source(%dma_start3A_326 : memref<1000000x32xf32, #tpu.memory_space<hbm>>) target(%dma_start3A_322 : memref<128x32xf32, #tpu.memory_space<vmem>>) offsets(%dma_start3A_323 : memref<128xi32, #tpu.memory_space<vmem>>) semaphore(%arg8 : memref<!tpu.dma_semaphore, #tpu.memory_space<semaphore_mem>>)
      %dma_wait3A_327 = arith.constant 0 : i32
      %dma_wait3A_328 = arith.constant 0 : i32
      %dma_wait3A_329 = tpu.memref_slice %arg6[%dma_wait3A_327, %dma_wait3A_328] : memref<2560x32xf32, #tpu.memory_space<vmem>> -> memref<1280x32xf32, #tpu.memory_space<vmem>>
      %dma_wait3A_330 = arith.constant 0 : i32
      %dma_wait3A_331 = arith.constant 0 : i32
      %dma_wait3A_332 = tpu.memref_slice %arg4[%dma_wait3A_330, %dma_wait3A_331] : memref<819200x32xf32, #tpu.memory_space<hbm>> -> memref<1280x32xf32, #tpu.memory_space<hbm>>
      %dma_wait3A_333 = arith.constant 0 : i32
      %dma_wait3A_334 = arith.constant 0 : i32
      %dma_wait3A_335 = tpu.memref_slice %arg6[%dma_wait3A_333, %dma_wait3A_334] : memref<2560x32xf32, #tpu.memory_space<vmem>> -> memref<1280x32xf32, #tpu.memory_space<vmem>>
      %dma_wait3A_336 = arith.constant 0 : i32
      %dma_wait3A_337 = arith.constant 0 : i32
      %dma_wait3A_338 = tpu.memref_slice %arg4[%dma_wait3A_336, %dma_wait3A_337] : memref<819200x32xf32, #tpu.memory_space<hbm>> -> memref<1280x32xf32, #tpu.memory_space<hbm>>
      tpu.wait_dma2 semaphore(%arg7 : memref<!tpu.dma_semaphore, #tpu.memory_space<semaphore_mem>>) src(%dma_wait3A_338 : memref<1280x32xf32, #tpu.memory_space<hbm>>) dst(%dma_wait3A_335 : memref<1280x32xf32, #tpu.memory_space<vmem>>)
      %scan3A_339 = arith.constant 0 : i32
      %scan3A_340 = arith.constant 0 : i32
      %scan3A_341 = arith.constant 160 : i32
      %scan3A_342 = arith.addi %scan3A_340, %scan3A_341 : i32
      %scan3A_343 = arith.constant 1 : i32
      %scan3A_344 = scf.for %scan3A_486 = %scan3A_340 to %scan3A_342 step %scan3A_343 iter_args(%scan3A_487 = %scan3A_339) -> (i32)  : i32 {
        %mul3A_488 = arith.constant 8 : i32
        %mul3A_489 = arith.muli %scan3A_486, %mul3A_488 : i32
        %add3A_490 = arith.constant 0 : i32
        %add3A_491 = arith.addi %add3A_490, %mul3A_489 : i32
        %add3A_492 = arith.constant 0 : i32
        %add3A_493 = arith.addi %add3A_491, %add3A_492 : i32
        %get3A = arith.index_cast %add3A_493 : i32 to index
        %get3A_494 = arith.constant 0 : index
        %get3A_495 = tpu.vector_load %arg6[%get3A, %get3A_494] {strides = array<i32>} : memref<2560x32xf32, #tpu.memory_space<vmem>>, vector<1x16xf32>,
        %get3A_496 = vector.shape_cast %get3A_495 : vector<1x16xf32> to vector<16xf32>
        %mul3A_497 = arith.constant 5.65685415 : f32
        %mul3A_498 = vector.broadcast %mul3A_497 : f32 to vector<16xf32>
        %mul3A_499 = arith.mulf %get3A_496, %mul3A_498 : vector<16xf32>
        %add3A_500 = arith.constant 0 : i32
        %add3A_501 = arith.addi %add3A_491, %add3A_500 : i32
        %swap3A = arith.index_cast %add3A_501 : i32 to index
        %swap3A_502 = arith.constant 0 : index
        %swap3A_503 = tpu.vector_load %arg6[%swap3A, %swap3A_502] {strides = array<i32>} : memref<2560x32xf32, #tpu.memory_space<vmem>>, vector<1x16xf32>,
        %swap3A_504 = vector.shape_cast %swap3A_503 : vector<1x16xf32> to vector<16xf32>
        %swap3A_505 = vector.shape_cast %mul3A_499 : vector<16xf32> to vector<1x16xf32>
        tpu.vector_store %arg6[%swap3A, %swap3A_502], %swap3A_505 {strides = array<i32>} : memref<2560x32xf32, #tpu.memory_space<vmem>>, vector<1x16xf32>,
        %add3A_506 = arith.constant 0 : i32
        %add3A_507 = arith.addi %add3A_491, %add3A_506 : i32
        %get3A_508 = arith.index_cast %add3A_507 : i32 to index
        %get3A_509 = arith.constant 16 : index
        %get3A_510 = tpu.vector_load %arg6[%get3A_508, %get3A_509] {strides = array<i32>} : memref<2560x32xf32, #tpu.memory_space<vmem>>, vector<1x16xf32>,
        %get3A_511 = vector.shape_cast %get3A_510 : vector<1x16xf32> to vector<16xf32>
        %mul3A_512 = arith.constant 5.65685415 : f32
        %mul3A_513 = vector.broadcast %mul3A_512 : f32 to vector<16xf32>
        %mul3A_514 = arith.mulf %get3A_511, %mul3A_513 : vector<16xf32>
        %add3A_515 = arith.constant 0 : i32
        %add3A_516 = arith.addi %add3A_491, %add3A_515 : i32
        %swap3A_517 = arith.index_cast %add3A_516 : i32 to index
        %swap3A_518 = arith.constant 16 : index
        %swap3A_519 = tpu.vector_load %arg6[%swap3A_517, %swap3A_518] {strides = array<i32>} : memref<2560x32xf32, #tpu.memory_space<vmem>>, vector<1x16xf32>,
        %swap3A_520 = vector.shape_cast %swap3A_519 : vector<1x16xf32> to vector<16xf32>
        %swap3A_521 = vector.shape_cast %mul3A_514 : vector<16xf32> to vector<1x16xf32>
        tpu.vector_store %arg6[%swap3A_517, %swap3A_518], %swap3A_521 {strides = array<i32>} : memref<2560x32xf32, #tpu.memory_space<vmem>>, vector<1x16xf32>,
        %add3A_522 = arith.constant 1 : i32
        %add3A_523 = arith.addi %add3A_491, %add3A_522 : i32
        %get3A_524 = arith.index_cast %add3A_523 : i32 to index
        %get3A_525 = arith.constant 0 : index
        %get3A_526 = tpu.vector_load %arg6[%get3A_524, %get3A_525] {strides = array<i32>} : memref<2560x32xf32, #tpu.memory_space<vmem>>, vector<1x16xf32>,
        %get3A_527 = vector.shape_cast %get3A_526 : vector<1x16xf32> to vector<16xf32>
        %mul3A_528 = arith.constant 5.65685415 : f32
        %mul3A_529 = vector.broadcast %mul3A_528 : f32 to vector<16xf32>
        %mul3A_530 = arith.mulf %get3A_527, %mul3A_529 : vector<16xf32>
        %add3A_531 = arith.constant 1 : i32
        %add3A_532 = arith.addi %add3A_491, %add3A_531 : i32
        %swap3A_533 = arith.index_cast %add3A_532 : i32 to index
        %swap3A_534 = arith.constant 0 : index
        %swap3A_535 = tpu.vector_load %arg6[%swap3A_533, %swap3A_534] {strides = array<i32>} : memref<2560x32xf32, #tpu.memory_space<vmem>>, vector<1x16xf32>,
        %swap3A_536 = vector.shape_cast %swap3A_535 : vector<1x16xf32> to vector<16xf32>
        %swap3A_537 = vector.shape_cast %mul3A_530 : vector<16xf32> to vector<1x16xf32>
        tpu.vector_store %arg6[%swap3A_533, %swap3A_534], %swap3A_537 {strides = array<i32>} : memref<2560x32xf32, #tpu.memory_space<vmem>>, vector<1x16xf32>,
        %add3A_538 = arith.constant 1 : i32
        %add3A_539 = arith.addi %add3A_491, %add3A_538 : i32
        %get3A_540 = arith.index_cast %add3A_539 : i32 to index
        %get3A_541 = arith.constant 16 : index
        %get3A_542 = tpu.vector_load %arg6[%get3A_540, %get3A_541] {strides = array<i32>} : memref<2560x32xf32, #tpu.memory_space<vmem>>, vector<1x16xf32>,
        %get3A_543 = vector.shape_cast %get3A_542 : vector<1x16xf32> to vector<16xf32>
        %mul3A_544 = arith.constant 5.65685415 : f32
        %mul3A_545 = vector.broadcast %mul3A_544 : f32 to vector<16xf32>
        %mul3A_546 = arith.mulf %get3A_543, %mul3A_545 : vector<16xf32>
        %add3A_547 = arith.constant 1 : i32
        %add3A_548 = arith.addi %add3A_491, %add3A_547 : i32
        %swap3A_549 = arith.index_cast %add3A_548 : i32 to index
        %swap3A_550 = arith.constant 16 : index
        %swap3A_551 = tpu.vector_load %arg6[%swap3A_549, %swap3A_550] {strides = array<i32>} : memref<2560x32xf32, #tpu.memory_space<vmem>>, vector<1x16xf32>,
        %swap3A_552 = vector.shape_cast %swap3A_551 : vector<1x16xf32> to vector<16xf32>
        %swap3A_553 = vector.shape_cast %mul3A_546 : vector<16xf32> to vector<1x16xf32>
        tpu.vector_store %arg6[%swap3A_549, %swap3A_550], %swap3A_553 {strides = array<i32>} : memref<2560x32xf32, #tpu.memory_space<vmem>>, vector<1x16xf32>,
        %add3A_554 = arith.constant 2 : i32
        %add3A_555 = arith.addi %add3A_491, %add3A_554 : i32
        %get3A_556 = arith.index_cast %add3A_555 : i32 to index
        %get3A_557 = arith.constant 0 : index
        %get3A_558 = tpu.vector_load %arg6[%get3A_556, %get3A_557] {strides = array<i32>} : memref<2560x32xf32, #tpu.memory_space<vmem>>, vector<1x16xf32>,
        %get3A_559 = vector.shape_cast %get3A_558 : vector<1x16xf32> to vector<16xf32>
        %mul3A_560 = arith.constant 5.65685415 : f32
        %mul3A_561 = vector.broadcast %mul3A_560 : f32 to vector<16xf32>
        %mul3A_562 = arith.mulf %get3A_559, %mul3A_561 : vector<16xf32>
        %add3A_563 = arith.constant 2 : i32
        %add3A_564 = arith.addi %add3A_491, %add3A_563 : i32
        %swap3A_565 = arith.index_cast %add3A_564 : i32 to index
        %swap3A_566 = arith.constant 0 : index
        %swap3A_567 = tpu.vector_load %arg6[%swap3A_565, %swap3A_566] {strides = array<i32>} : memref<2560x32xf32, #tpu.memory_space<vmem>>, vector<1x16xf32>,
        %swap3A_568 = vector.shape_cast %swap3A_567 : vector<1x16xf32> to vector<16xf32>
        %swap3A_569 = vector.shape_cast %mul3A_562 : vector<16xf32> to vector<1x16xf32>
        tpu.vector_store %arg6[%swap3A_565, %swap3A_566], %swap3A_569 {strides = array<i32>} : memref<2560x32xf32, #tpu.memory_space<vmem>>, vector<1x16xf32>,
        %add3A_570 = arith.constant 2 : i32
        %add3A_571 = arith.addi %add3A_491, %add3A_570 : i32
        %get3A_572 = arith.index_cast %add3A_571 : i32 to index
        %get3A_573 = arith.constant 16 : index
        %get3A_574 = tpu.vector_load %arg6[%get3A_572, %get3A_573] {strides = array<i32>} : memref<2560x32xf32, #tpu.memory_space<vmem>>, vector<1x16xf32>,
        %get3A_575 = vector.shape_cast %get3A_574 : vector<1x16xf32> to vector<16xf32>
        %mul3A_576 = arith.constant 5.65685415 : f32
        %mul3A_577 = vector.broadcast %mul3A_576 : f32 to vector<16xf32>
        %mul3A_578 = arith.mulf %get3A_575, %mul3A_577 : vector<16xf32>
        %add3A_579 = arith.constant 2 : i32
        %add3A_580 = arith.addi %add3A_491, %add3A_579 : i32
        %swap3A_581 = arith.index_cast %add3A_580 : i32 to index
        %swap3A_582 = arith.constant 16 : index
        %swap3A_583 = tpu.vector_load %arg6[%swap3A_581, %swap3A_582] {strides = array<i32>} : memref<2560x32xf32, #tpu.memory_space<vmem>>, vector<1x16xf32>,
        %swap3A_584 = vector.shape_cast %swap3A_583 : vector<1x16xf32> to vector<16xf32>
        %swap3A_585 = vector.shape_cast %mul3A_578 : vector<16xf32> to vector<1x16xf32>
        tpu.vector_store %arg6[%swap3A_581, %swap3A_582], %swap3A_585 {strides = array<i32>} : memref<2560x32xf32, #tpu.memory_space<vmem>>, vector<1x16xf32>,
        %add3A_586 = arith.constant 3 : i32
        %add3A_587 = arith.addi %add3A_491, %add3A_586 : i32
        %get3A_588 = arith.index_cast %add3A_587 : i32 to index
        %get3A_589 = arith.constant 0 : index
        %get3A_590 = tpu.vector_load %arg6[%get3A_588, %get3A_589] {strides = array<i32>} : memref<2560x32xf32, #tpu.memory_space<vmem>>, vector<1x16xf32>,
        %get3A_591 = vector.shape_cast %get3A_590 : vector<1x16xf32> to vector<16xf32>
        %mul3A_592 = arith.constant 5.65685415 : f32
        %mul3A_593 = vector.broadcast %mul3A_592 : f32 to vector<16xf32>
        %mul3A_594 = arith.mulf %get3A_591, %mul3A_593 : vector<16xf32>
        %add3A_595 = arith.constant 3 : i32
        %add3A_596 = arith.addi %add3A_491, %add3A_595 : i32
        %swap3A_597 = arith.index_cast %add3A_596 : i32 to index
        %swap3A_598 = arith.constant 0 : index
        %swap3A_599 = tpu.vector_load %arg6[%swap3A_597, %swap3A_598] {strides = array<i32>} : memref<2560x32xf32, #tpu.memory_space<vmem>>, vector<1x16xf32>,
        %swap3A_600 = vector.shape_cast %swap3A_599 : vector<1x16xf32> to vector<16xf32>
        %swap3A_601 = vector.shape_cast %mul3A_594 : vector<16xf32> to vector<1x16xf32>
        tpu.vector_store %arg6[%swap3A_597, %swap3A_598], %swap3A_601 {strides = array<i32>} : memref<2560x32xf32, #tpu.memory_space<vmem>>, vector<1x16xf32>,
        %add3A_602 = arith.constant 3 : i32
        %add3A_603 = arith.addi %add3A_491, %add3A_602 : i32
        %get3A_604 = arith.index_cast %add3A_603 : i32 to index
        %get3A_605 = arith.constant 16 : index
        %get3A_606 = tpu.vector_load %arg6[%get3A_604, %get3A_605] {strides = array<i32>} : memref<2560x32xf32, #tpu.memory_space<vmem>>, vector<1x16xf32>,
        %get3A_607 = vector.shape_cast %get3A_606 : vector<1x16xf32> to vector<16xf32>
        %mul3A_608 = arith.constant 5.65685415 : f32
        %mul3A_609 = vector.broadcast %mul3A_608 : f32 to vector<16xf32>
        %mul3A_610 = arith.mulf %get3A_607, %mul3A_609 : vector<16xf32>
        %add3A_611 = arith.constant 3 : i32
        %add3A_612 = arith.addi %add3A_491, %add3A_611 : i32
        %swap3A_613 = arith.index_cast %add3A_612 : i32 to index
        %swap3A_614 = arith.constant 16 : index
        %swap3A_615 = tpu.vector_load %arg6[%swap3A_613, %swap3A_614] {strides = array<i32>} : memref<2560x32xf32, #tpu.memory_space<vmem>>, vector<1x16xf32>,
        %swap3A_616 = vector.shape_cast %swap3A_615 : vector<1x16xf32> to vector<16xf32>
        %swap3A_617 = vector.shape_cast %mul3A_610 : vector<16xf32> to vector<1x16xf32>
        tpu.vector_store %arg6[%swap3A_613, %swap3A_614], %swap3A_617 {strides = array<i32>} : memref<2560x32xf32, #tpu.memory_space<vmem>>, vector<1x16xf32>,
        %add3A_618 = arith.constant 4 : i32
        %add3A_619 = arith.addi %add3A_491, %add3A_618 : i32
        %get3A_620 = arith.index_cast %add3A_619 : i32 to index
        %get3A_621 = arith.constant 0 : index
        %get3A_622 = tpu.vector_load %arg6[%get3A_620, %get3A_621] {strides = array<i32>} : memref<2560x32xf32, #tpu.memory_space<vmem>>, vector<1x16xf32>,
        %get3A_623 = vector.shape_cast %get3A_622 : vector<1x16xf32> to vector<16xf32>
        %mul3A_624 = arith.constant 5.65685415 : f32
        %mul3A_625 = vector.broadcast %mul3A_624 : f32 to vector<16xf32>
        %mul3A_626 = arith.mulf %get3A_623, %mul3A_625 : vector<16xf32>
        %add3A_627 = arith.constant 4 : i32
        %add3A_628 = arith.addi %add3A_491, %add3A_627 : i32
        %swap3A_629 = arith.index_cast %add3A_628 : i32 to index
        %swap3A_630 = arith.constant 0 : index
        %swap3A_631 = tpu.vector_load %arg6[%swap3A_629, %swap3A_630] {strides = array<i32>} : memref<2560x32xf32, #tpu.memory_space<vmem>>, vector<1x16xf32>,
        %swap3A_632 = vector.shape_cast %swap3A_631 : vector<1x16xf32> to vector<16xf32>
        %swap3A_633 = vector.shape_cast %mul3A_626 : vector<16xf32> to vector<1x16xf32>
        tpu.vector_store %arg6[%swap3A_629, %swap3A_630], %swap3A_633 {strides = array<i32>} : memref<2560x32xf32, #tpu.memory_space<vmem>>, vector<1x16xf32>,
        %add3A_634 = arith.constant 4 : i32
        %add3A_635 = arith.addi %add3A_491, %add3A_634 : i32
        %get3A_636 = arith.index_cast %add3A_635 : i32 to index
        %get3A_637 = arith.constant 16 : index
        %get3A_638 = tpu.vector_load %arg6[%get3A_636, %get3A_637] {strides = array<i32>} : memref<2560x32xf32, #tpu.memory_space<vmem>>, vector<1x16xf32>,
        %get3A_639 = vector.shape_cast %get3A_638 : vector<1x16xf32> to vector<16xf32>
        %mul3A_640 = arith.constant 5.65685415 : f32
        %mul3A_641 = vector.broadcast %mul3A_640 : f32 to vector<16xf32>
        %mul3A_642 = arith.mulf %get3A_639, %mul3A_641 : vector<16xf32>
        %add3A_643 = arith.constant 4 : i32
        %add3A_644 = arith.addi %add3A_491, %add3A_643 : i32
        %swap3A_645 = arith.index_cast %add3A_644 : i32 to index
        %swap3A_646 = arith.constant 16 : index
        %swap3A_647 = tpu.vector_load %arg6[%swap3A_645, %swap3A_646] {strides = array<i32>} : memref<2560x32xf32, #tpu.memory_space<vmem>>, vector<1x16xf32>,
        %swap3A_648 = vector.shape_cast %swap3A_647 : vector<1x16xf32> to vector<16xf32>
        %swap3A_649 = vector.shape_cast %mul3A_642 : vector<16xf32> to vector<1x16xf32>
        tpu.vector_store %arg6[%swap3A_645, %swap3A_646], %swap3A_649 {strides = array<i32>} : memref<2560x32xf32, #tpu.memory_space<vmem>>, vector<1x16xf32>,
        %add3A_650 = arith.constant 5 : i32
        %add3A_651 = arith.addi %add3A_491, %add3A_650 : i32
        %get3A_652 = arith.index_cast %add3A_651 : i32 to index
        %get3A_653 = arith.constant 0 : index
        %get3A_654 = tpu.vector_load %arg6[%get3A_652, %get3A_653] {strides = array<i32>} : memref<2560x32xf32, #tpu.memory_space<vmem>>, vector<1x16xf32>,
        %get3A_655 = vector.shape_cast %get3A_654 : vector<1x16xf32> to vector<16xf32>
        %mul3A_656 = arith.constant 5.65685415 : f32
        %mul3A_657 = vector.broadcast %mul3A_656 : f32 to vector<16xf32>
        %mul3A_658 = arith.mulf %get3A_655, %mul3A_657 : vector<16xf32>
        %add3A_659 = arith.constant 5 : i32
        %add3A_660 = arith.addi %add3A_491, %add3A_659 : i32
        %swap3A_661 = arith.index_cast %add3A_660 : i32 to index
        %swap3A_662 = arith.constant 0 : index
        %swap3A_663 = tpu.vector_load %arg6[%swap3A_661, %swap3A_662] {strides = array<i32>} : memref<2560x32xf32, #tpu.memory_space<vmem>>, vector<1x16xf32>,
        %swap3A_664 = vector.shape_cast %swap3A_663 : vector<1x16xf32> to vector<16xf32>
        %swap3A_665 = vector.shape_cast %mul3A_658 : vector<16xf32> to vector<1x16xf32>
        tpu.vector_store %arg6[%swap3A_661, %swap3A_662], %swap3A_665 {strides = array<i32>} : memref<2560x32xf32, #tpu.memory_space<vmem>>, vector<1x16xf32>,
        %add3A_666 = arith.constant 5 : i32
        %add3A_667 = arith.addi %add3A_491, %add3A_666 : i32
        %get3A_668 = arith.index_cast %add3A_667 : i32 to index
        %get3A_669 = arith.constant 16 : index
        %get3A_670 = tpu.vector_load %arg6[%get3A_668, %get3A_669] {strides = array<i32>} : memref<2560x32xf32, #tpu.memory_space<vmem>>, vector<1x16xf32>,
        %get3A_671 = vector.shape_cast %get3A_670 : vector<1x16xf32> to vector<16xf32>
        %mul3A_672 = arith.constant 5.65685415 : f32
        %mul3A_673 = vector.broadcast %mul3A_672 : f32 to vector<16xf32>
        %mul3A_674 = arith.mulf %get3A_671, %mul3A_673 : vector<16xf32>
        %add3A_675 = arith.constant 5 : i32
        %add3A_676 = arith.addi %add3A_491, %add3A_675 : i32
        %swap3A_677 = arith.index_cast %add3A_676 : i32 to index
        %swap3A_678 = arith.constant 16 : index
        %swap3A_679 = tpu.vector_load %arg6[%swap3A_677, %swap3A_678] {strides = array<i32>} : memref<2560x32xf32, #tpu.memory_space<vmem>>, vector<1x16xf32>,
        %swap3A_680 = vector.shape_cast %swap3A_679 : vector<1x16xf32> to vector<16xf32>
        %swap3A_681 = vector.shape_cast %mul3A_674 : vector<16xf32> to vector<1x16xf32>
        tpu.vector_store %arg6[%swap3A_677, %swap3A_678], %swap3A_681 {strides = array<i32>} : memref<2560x32xf32, #tpu.memory_space<vmem>>, vector<1x16xf32>,
        %add3A_682 = arith.constant 6 : i32
        %add3A_683 = arith.addi %add3A_491, %add3A_682 : i32
        %get3A_684 = arith.index_cast %add3A_683 : i32 to index
        %get3A_685 = arith.constant 0 : index
        %get3A_686 = tpu.vector_load %arg6[%get3A_684, %get3A_685] {strides = array<i32>} : memref<2560x32xf32, #tpu.memory_space<vmem>>, vector<1x16xf32>,
        %get3A_687 = vector.shape_cast %get3A_686 : vector<1x16xf32> to vector<16xf32>
        %mul3A_688 = arith.constant 5.65685415 : f32
        %mul3A_689 = vector.broadcast %mul3A_688 : f32 to vector<16xf32>
        %mul3A_690 = arith.mulf %get3A_687, %mul3A_689 : vector<16xf32>
        %add3A_691 = arith.constant 6 : i32
        %add3A_692 = arith.addi %add3A_491, %add3A_691 : i32
        %swap3A_693 = arith.index_cast %add3A_692 : i32 to index
        %swap3A_694 = arith.constant 0 : index
        %swap3A_695 = tpu.vector_load %arg6[%swap3A_693, %swap3A_694] {strides = array<i32>} : memref<2560x32xf32, #tpu.memory_space<vmem>>, vector<1x16xf32>,
        %swap3A_696 = vector.shape_cast %swap3A_695 : vector<1x16xf32> to vector<16xf32>
        %swap3A_697 = vector.shape_cast %mul3A_690 : vector<16xf32> to vector<1x16xf32>
        tpu.vector_store %arg6[%swap3A_693, %swap3A_694], %swap3A_697 {strides = array<i32>} : memref<2560x32xf32, #tpu.memory_space<vmem>>, vector<1x16xf32>,
        %add3A_698 = arith.constant 6 : i32
        %add3A_699 = arith.addi %add3A_491, %add3A_698 : i32
        %get3A_700 = arith.index_cast %add3A_699 : i32 to index
        %get3A_701 = arith.constant 16 : index
        %get3A_702 = tpu.vector_load %arg6[%get3A_700, %get3A_701] {strides = array<i32>} : memref<2560x32xf32, #tpu.memory_space<vmem>>, vector<1x16xf32>,
        %get3A_703 = vector.shape_cast %get3A_702 : vector<1x16xf32> to vector<16xf32>
        %mul3A_704 = arith.constant 5.65685415 : f32
        %mul3A_705 = vector.broadcast %mul3A_704 : f32 to vector<16xf32>
        %mul3A_706 = arith.mulf %get3A_703, %mul3A_705 : vector<16xf32>
        %add3A_707 = arith.constant 6 : i32
        %add3A_708 = arith.addi %add3A_491, %add3A_707 : i32
        %swap3A_709 = arith.index_cast %add3A_708 : i32 to index
        %swap3A_710 = arith.constant 16 : index
        %swap3A_711 = tpu.vector_load %arg6[%swap3A_709, %swap3A_710] {strides = array<i32>} : memref<2560x32xf32, #tpu.memory_space<vmem>>, vector<1x16xf32>,
        %swap3A_712 = vector.shape_cast %swap3A_711 : vector<1x16xf32> to vector<16xf32>
        %swap3A_713 = vector.shape_cast %mul3A_706 : vector<16xf32> to vector<1x16xf32>
        tpu.vector_store %arg6[%swap3A_709, %swap3A_710], %swap3A_713 {strides = array<i32>} : memref<2560x32xf32, #tpu.memory_space<vmem>>, vector<1x16xf32>,
        %add3A_714 = arith.constant 7 : i32
        %add3A_715 = arith.addi %add3A_491, %add3A_714 : i32
        %get3A_716 = arith.index_cast %add3A_715 : i32 to index
        %get3A_717 = arith.constant 0 : index
        %get3A_718 = tpu.vector_load %arg6[%get3A_716, %get3A_717] {strides = array<i32>} : memref<2560x32xf32, #tpu.memory_space<vmem>>, vector<1x16xf32>,
        %get3A_719 = vector.shape_cast %get3A_718 : vector<1x16xf32> to vector<16xf32>
        %mul3A_720 = arith.constant 5.65685415 : f32
        %mul3A_721 = vector.broadcast %mul3A_720 : f32 to vector<16xf32>
        %mul3A_722 = arith.mulf %get3A_719, %mul3A_721 : vector<16xf32>
        %add3A_723 = arith.constant 7 : i32
        %add3A_724 = arith.addi %add3A_491, %add3A_723 : i32
        %swap3A_725 = arith.index_cast %add3A_724 : i32 to index
        %swap3A_726 = arith.constant 0 : index
        %swap3A_727 = tpu.vector_load %arg6[%swap3A_725, %swap3A_726] {strides = array<i32>} : memref<2560x32xf32, #tpu.memory_space<vmem>>, vector<1x16xf32>,
        %swap3A_728 = vector.shape_cast %swap3A_727 : vector<1x16xf32> to vector<16xf32>
        %swap3A_729 = vector.shape_cast %mul3A_722 : vector<16xf32> to vector<1x16xf32>
        tpu.vector_store %arg6[%swap3A_725, %swap3A_726], %swap3A_729 {strides = array<i32>} : memref<2560x32xf32, #tpu.memory_space<vmem>>, vector<1x16xf32>,
        %add3A_730 = arith.constant 7 : i32
        %add3A_731 = arith.addi %add3A_491, %add3A_730 : i32
        %get3A_732 = arith.index_cast %add3A_731 : i32 to index
        %get3A_733 = arith.constant 16 : index
        %get3A_734 = tpu.vector_load %arg6[%get3A_732, %get3A_733] {strides = array<i32>} : memref<2560x32xf32, #tpu.memory_space<vmem>>, vector<1x16xf32>,
        %get3A_735 = vector.shape_cast %get3A_734 : vector<1x16xf32> to vector<16xf32>
        %mul3A_736 = arith.constant 5.65685415 : f32
        %mul3A_737 = vector.broadcast %mul3A_736 : f32 to vector<16xf32>
        %mul3A_738 = arith.mulf %get3A_735, %mul3A_737 : vector<16xf32>
        %add3A_739 = arith.constant 7 : i32
        %add3A_740 = arith.addi %add3A_491, %add3A_739 : i32
        %swap3A_741 = arith.index_cast %add3A_740 : i32 to index
        %swap3A_742 = arith.constant 16 : index
        %swap3A_743 = tpu.vector_load %arg6[%swap3A_741, %swap3A_742] {strides = array<i32>} : memref<2560x32xf32, #tpu.memory_space<vmem>>, vector<1x16xf32>,
        %swap3A_744 = vector.shape_cast %swap3A_743 : vector<1x16xf32> to vector<16xf32>
        %swap3A_745 = vector.shape_cast %mul3A_738 : vector<16xf32> to vector<1x16xf32>
        tpu.vector_store %arg6[%swap3A_741, %swap3A_742], %swap3A_745 {strides = array<i32>} : memref<2560x32xf32, #tpu.memory_space<vmem>>, vector<1x16xf32>,
        %scan3A_746 = arith.constant 0 : i32
        scf.yield %scan3A_746 : i32
      }
      %scan3A_345 = arith.constant 160 : i32
      %mul3A_346 = arith.constant 1280 : i32
      %mul3A_347 = arith.muli %mul3A_214, %mul3A_346 : i32
      %add3A_348 = arith.addi %mul3A_4, %mul3A_347 : i32
      "tpu.region"() ({
        %run_scoped3A = tpu.sem_alloc : memref<!tpu.dma_semaphore, #tpu.memory_space<semaphore_mem>>
        %dma_start3A_486 = arith.constant 0 : i32
        %dma_start3A_487 = arith.constant 0 : i32
        %dma_start3A_488 = tpu.memref_slice %arg6[%dma_start3A_486, %dma_start3A_487] : memref<2560x32xf32, #tpu.memory_space<vmem>> -> memref<1280x32xf32, #tpu.memory_space<vmem>>
        %dma_start3A_489 = arith.constant 0 : i32
        %dma_start3A_490 = tpu.memref_slice %arg4[%add3A_348, %dma_start3A_489] : memref<819200x32xf32, #tpu.memory_space<hbm>> -> memref<1280x32xf32, #tpu.memory_space<hbm>>
        %dma_start3A_491 = arith.constant 0 : i32
        %dma_start3A_492 = tpu.memref_slice %arg4[%add3A_348, %dma_start3A_491] : memref<819200x32xf32, #tpu.memory_space<hbm>> -> memref<1280x32xf32, #tpu.memory_space<hbm>>
        %dma_start3A_493 = arith.constant 0 : i32
        %dma_start3A_494 = arith.constant 0 : i32
        %dma_start3A_495 = tpu.memref_slice %arg6[%dma_start3A_493, %dma_start3A_494] : memref<2560x32xf32, #tpu.memory_space<vmem>> -> memref<1280x32xf32, #tpu.memory_space<vmem>>
        tpu.enqueue_dma source(%dma_start3A_495 : memref<1280x32xf32, #tpu.memory_space<vmem>>) target(%dma_start3A_492 : memref<1280x32xf32, #tpu.memory_space<hbm>>) target_semaphore(%run_scoped3A : memref<!tpu.dma_semaphore, #tpu.memory_space<semaphore_mem>>)
        %dma_wait3A_496 = arith.constant 0 : i32
        %dma_wait3A_497 = arith.constant 0 : i32
        %dma_wait3A_498 = tpu.memref_slice %arg6[%dma_wait3A_496, %dma_wait3A_497] : memref<2560x32xf32, #tpu.memory_space<vmem>> -> memref<1280x32xf32, #tpu.memory_space<vmem>>
        %dma_wait3A_499 = arith.constant 0 : i32
        %dma_wait3A_500 = tpu.memref_slice %arg4[%add3A_348, %dma_wait3A_499] : memref<819200x32xf32, #tpu.memory_space<hbm>> -> memref<1280x32xf32, #tpu.memory_space<hbm>>
        %dma_wait3A_501 = arith.constant 0 : i32
        %dma_wait3A_502 = tpu.memref_slice %arg4[%add3A_348, %dma_wait3A_501] : memref<819200x32xf32, #tpu.memory_space<hbm>> -> memref<1280x32xf32, #tpu.memory_space<hbm>>
        %dma_wait3A_503 = arith.constant 0 : i32
        %dma_wait3A_504 = arith.constant 0 : i32
        %dma_wait3A_505 = tpu.memref_slice %arg6[%dma_wait3A_503, %dma_wait3A_504] : memref<2560x32xf32, #tpu.memory_space<vmem>> -> memref<1280x32xf32, #tpu.memory_space<vmem>>
        tpu.wait_dma2 semaphore(%run_scoped3A : memref<!tpu.dma_semaphore, #tpu.memory_space<semaphore_mem>>) src(%dma_wait3A_505 : memref<1280x32xf32, #tpu.memory_space<vmem>>) dst(%dma_wait3A_502 : memref<1280x32xf32, #tpu.memory_space<hbm>>)
        tpu.yield
      }) : () -> ()
      %add3A_349 = arith.constant 2 : i32
      %add3A_350 = arith.addi %mul3A_214, %add3A_349 : i32
      %mul3A_351 = arith.constant 1280 : i32
      %mul3A_352 = arith.muli %add3A_350, %mul3A_351 : i32
      %add3A_353 = arith.constant 0 : i32
      %add3A_354 = arith.addi %mul3A_352, %add3A_353 : i32
      %dma_start3A_355 = arith.constant 0 : i32
      %dma_start3A_356 = arith.constant 0 : i32
      %dma_start3A_357 = tpu.memref_slice %arg6[%dma_start3A_355, %dma_start3A_356] : memref<2560x32xf32, #tpu.memory_space<vmem>> -> memref<128x32xf32, #tpu.memory_space<vmem>>
      %dma_start3A_358 = tpu.memref_slice %arg5[%add3A_354] : memref<25600xi32, #tpu.memory_space<vmem>> -> memref<128xi32, #tpu.memory_space<vmem>>
      %dma_start3A_359 = arith.constant 0 : i32
      %dma_start3A_360 = arith.constant 0 : i32
      %dma_start3A_361 = tpu.memref_slice %arg3[%dma_start3A_359, %dma_start3A_360] : memref<1000000x32xf32, #tpu.memory_space<hbm>> -> memref<1000000x32xf32, #tpu.memory_space<hbm>>
      tpu.enqueue_indirect_dma source(%dma_start3A_361 : memref<1000000x32xf32, #tpu.memory_space<hbm>>) target(%dma_start3A_357 : memref<128x32xf32, #tpu.memory_space<vmem>>) offsets(%dma_start3A_358 : memref<128xi32, #tpu.memory_space<vmem>>) semaphore(%arg7 : memref<!tpu.dma_semaphore, #tpu.memory_space<semaphore_mem>>)
      %mul3A_362 = arith.constant 1280 : i32
      %mul3A_363 = arith.muli %add3A_350, %mul3A_362 : i32
      %add3A_364 = arith.constant 128 : i32
      %add3A_365 = arith.addi %mul3A_363, %add3A_364 : i32
      %dma_start3A_366 = arith.constant 128 : i32
      %dma_start3A_367 = arith.constant 0 : i32
      %dma_start3A_368 = tpu.memref_slice %arg6[%dma_start3A_366, %dma_start3A_367] : memref<2560x32xf32, #tpu.memory_space<vmem>> -> memref<128x32xf32, #tpu.memory_space<vmem>>
      %dma_start3A_369 = tpu.memref_slice %arg5[%add3A_365] : memref<25600xi32, #tpu.memory_space<vmem>> -> memref<128xi32, #tpu.memory_space<vmem>>
      %dma_start3A_370 = arith.constant 0 : i32
      %dma_start3A_371 = arith.constant 0 : i32
      %dma_start3A_372 = tpu.memref_slice %arg3[%dma_start3A_370, %dma_start3A_371] : memref<1000000x32xf32, #tpu.memory_space<hbm>> -> memref<1000000x32xf32, #tpu.memory_space<hbm>>
      tpu.enqueue_indirect_dma source(%dma_start3A_372 : memref<1000000x32xf32, #tpu.memory_space<hbm>>) target(%dma_start3A_368 : memref<128x32xf32, #tpu.memory_space<vmem>>) offsets(%dma_start3A_369 : memref<128xi32, #tpu.memory_space<vmem>>) semaphore(%arg7 : memref<!tpu.dma_semaphore, #tpu.memory_space<semaphore_mem>>)
      %mul3A_373 = arith.constant 1280 : i32
      %mul3A_374 = arith.muli %add3A_350, %mul3A_373 : i32
      %add3A_375 = arith.constant 256 : i32
      %add3A_376 = arith.addi %mul3A_374, %add3A_375 : i32
      %dma_start3A_377 = arith.constant 256 : i32
      %dma_start3A_378 = arith.constant 0 : i32
      %dma_start3A_379 = tpu.memref_slice %arg6[%dma_start3A_377, %dma_start3A_378] : memref<2560x32xf32, #tpu.memory_space<vmem>> -> memref<128x32xf32, #tpu.memory_space<vmem>>
      %dma_start3A_380 = tpu.memref_slice %arg5[%add3A_376] : memref<25600xi32, #tpu.memory_space<vmem>> -> memref<128xi32, #tpu.memory_space<vmem>>
      %dma_start3A_381 = arith.constant 0 : i32
      %dma_start3A_382 = arith.constant 0 : i32
      %dma_start3A_383 = tpu.memref_slice %arg3[%dma_start3A_381, %dma_start3A_382] : memref<1000000x32xf32, #tpu.memory_space<hbm>> -> memref<1000000x32xf32, #tpu.memory_space<hbm>>
      tpu.enqueue_indirect_dma source(%dma_start3A_383 : memref<1000000x32xf32, #tpu.memory_space<hbm>>) target(%dma_start3A_379 : memref<128x32xf32, #tpu.memory_space<vmem>>) offsets(%dma_start3A_380 : memref<128xi32, #tpu.memory_space<vmem>>) semaphore(%arg7 : memref<!tpu.dma_semaphore, #tpu.memory_space<semaphore_mem>>)
      %mul3A_384 = arith.constant 1280 : i32
      %mul3A_385 = arith.muli %add3A_350, %mul3A_384 : i32
      %add3A_386 = arith.constant 384 : i32
      %add3A_387 = arith.addi %mul3A_385, %add3A_386 : i32
      %dma_start3A_388 = arith.constant 384 : i32
      %dma_start3A_389 = arith.constant 0 : i32
      %dma_start3A_390 = tpu.memref_slice %arg6[%dma_start3A_388, %dma_start3A_389] : memref<2560x32xf32, #tpu.memory_space<vmem>> -> memref<128x32xf32, #tpu.memory_space<vmem>>
      %dma_start3A_391 = tpu.memref_slice %arg5[%add3A_387] : memref<25600xi32, #tpu.memory_space<vmem>> -> memref<128xi32, #tpu.memory_space<vmem>>
      %dma_start3A_392 = arith.constant 0 : i32
      %dma_start3A_393 = arith.constant 0 : i32
      %dma_start3A_394 = tpu.memref_slice %arg3[%dma_start3A_392, %dma_start3A_393] : memref<1000000x32xf32, #tpu.memory_space<hbm>> -> memref<1000000x32xf32, #tpu.memory_space<hbm>>
      tpu.enqueue_indirect_dma source(%dma_start3A_394 : memref<1000000x32xf32, #tpu.memory_space<hbm>>) target(%dma_start3A_390 : memref<128x32xf32, #tpu.memory_space<vmem>>) offsets(%dma_start3A_391 : memref<128xi32, #tpu.memory_space<vmem>>) semaphore(%arg7 : memref<!tpu.dma_semaphore, #tpu.memory_space<semaphore_mem>>)
      %mul3A_395 = arith.constant 1280 : i32
      %mul3A_396 = arith.muli %add3A_350, %mul3A_395 : i32
      %add3A_397 = arith.constant 512 : i32
      %add3A_398 = arith.addi %mul3A_396, %add3A_397 : i32
      %dma_start3A_399 = arith.constant 512 : i32
      %dma_start3A_400 = arith.constant 0 : i32
      %dma_start3A_401 = tpu.memref_slice %arg6[%dma_start3A_399, %dma_start3A_400] : memref<2560x32xf32, #tpu.memory_space<vmem>> -> memref<128x32xf32, #tpu.memory_space<vmem>>
      %dma_start3A_402 = tpu.memref_slice %arg5[%add3A_398] : memref<25600xi32, #tpu.memory_space<vmem>> -> memref<128xi32, #tpu.memory_space<vmem>>
      %dma_start3A_403 = arith.constant 0 : i32
      %dma_start3A_404 = arith.constant 0 : i32
      %dma_start3A_405 = tpu.memref_slice %arg3[%dma_start3A_403, %dma_start3A_404] : memref<1000000x32xf32, #tpu.memory_space<hbm>> -> memref<1000000x32xf32, #tpu.memory_space<hbm>>
      tpu.enqueue_indirect_dma source(%dma_start3A_405 : memref<1000000x32xf32, #tpu.memory_space<hbm>>) target(%dma_start3A_401 : memref<128x32xf32, #tpu.memory_space<vmem>>) offsets(%dma_start3A_402 : memref<128xi32, #tpu.memory_space<vmem>>) semaphore(%arg7 : memref<!tpu.dma_semaphore, #tpu.memory_space<semaphore_mem>>)
      %mul3A_406 = arith.constant 1280 : i32
      %mul3A_407 = arith.muli %add3A_350, %mul3A_406 : i32
      %add3A_408 = arith.constant 640 : i32
      %add3A_409 = arith.addi %mul3A_407, %add3A_408 : i32
      %dma_start3A_410 = arith.constant 640 : i32
      %dma_start3A_411 = arith.constant 0 : i32
      %dma_start3A_412 = tpu.memref_slice %arg6[%dma_start3A_410, %dma_start3A_411] : memref<2560x32xf32, #tpu.memory_space<vmem>> -> memref<128x32xf32, #tpu.memory_space<vmem>>
      %dma_start3A_413 = tpu.memref_slice %arg5[%add3A_409] : memref<25600xi32, #tpu.memory_space<vmem>> -> memref<128xi32, #tpu.memory_space<vmem>>
      %dma_start3A_414 = arith.constant 0 : i32
      %dma_start3A_415 = arith.constant 0 : i32
      %dma_start3A_416 = tpu.memref_slice %arg3[%dma_start3A_414, %dma_start3A_415] : memref<1000000x32xf32, #tpu.memory_space<hbm>> -> memref<1000000x32xf32, #tpu.memory_space<hbm>>
      tpu.enqueue_indirect_dma source(%dma_start3A_416 : memref<1000000x32xf32, #tpu.memory_space<hbm>>) target(%dma_start3A_412 : memref<128x32xf32, #tpu.memory_space<vmem>>) offsets(%dma_start3A_413 : memref<128xi32, #tpu.memory_space<vmem>>) semaphore(%arg7 : memref<!tpu.dma_semaphore, #tpu.memory_space<semaphore_mem>>)
      %mul3A_417 = arith.constant 1280 : i32
      %mul3A_418 = arith.muli %add3A_350, %mul3A_417 : i32
      %add3A_419 = arith.constant 768 : i32
      %add3A_420 = arith.addi %mul3A_418, %add3A_419 : i32
      %dma_start3A_421 = arith.constant 768 : i32
      %dma_start3A_422 = arith.constant 0 : i32
      %dma_start3A_423 = tpu.memref_slice %arg6[%dma_start3A_421, %dma_start3A_422] : memref<2560x32xf32, #tpu.memory_space<vmem>> -> memref<128x32xf32, #tpu.memory_space<vmem>>
      %dma_start3A_424 = tpu.memref_slice %arg5[%add3A_420] : memref<25600xi32, #tpu.memory_space<vmem>> -> memref<128xi32, #tpu.memory_space<vmem>>
      %dma_start3A_425 = arith.constant 0 : i32
      %dma_start3A_426 = arith.constant 0 : i32
      %dma_start3A_427 = tpu.memref_slice %arg3[%dma_start3A_425, %dma_start3A_426] : memref<1000000x32xf32, #tpu.memory_space<hbm>> -> memref<1000000x32xf32, #tpu.memory_space<hbm>>
      tpu.enqueue_indirect_dma source(%dma_start3A_427 : memref<1000000x32xf32, #tpu.memory_space<hbm>>) target(%dma_start3A_423 : memref<128x32xf32, #tpu.memory_space<vmem>>) offsets(%dma_start3A_424 : memref<128xi32, #tpu.memory_space<vmem>>) semaphore(%arg7 : memref<!tpu.dma_semaphore, #tpu.memory_space<semaphore_mem>>)
      %mul3A_428 = arith.constant 1280 : i32
      %mul3A_429 = arith.muli %add3A_350, %mul3A_428 : i32
      %add3A_430 = arith.constant 896 : i32
      %add3A_431 = arith.addi %mul3A_429, %add3A_430 : i32
      %dma_start3A_432 = arith.constant 896 : i32
      %dma_start3A_433 = arith.constant 0 : i32
      %dma_start3A_434 = tpu.memref_slice %arg6[%dma_start3A_432, %dma_start3A_433] : memref<2560x32xf32, #tpu.memory_space<vmem>> -> memref<128x32xf32, #tpu.memory_space<vmem>>
      %dma_start3A_435 = tpu.memref_slice %arg5[%add3A_431] : memref<25600xi32, #tpu.memory_space<vmem>> -> memref<128xi32, #tpu.memory_space<vmem>>
      %dma_start3A_436 = arith.constant 0 : i32
      %dma_start3A_437 = arith.constant 0 : i32
      %dma_start3A_438 = tpu.memref_slice %arg3[%dma_start3A_436, %dma_start3A_437] : memref<1000000x32xf32, #tpu.memory_space<hbm>> -> memref<1000000x32xf32, #tpu.memory_space<hbm>>
      tpu.enqueue_indirect_dma source(%dma_start3A_438 : memref<1000000x32xf32, #tpu.memory_space<hbm>>) target(%dma_start3A_434 : memref<128x32xf32, #tpu.memory_space<vmem>>) offsets(%dma_start3A_435 : memref<128xi32, #tpu.memory_space<vmem>>) semaphore(%arg7 : memref<!tpu.dma_semaphore, #tpu.memory_space<semaphore_mem>>)
      %mul3A_439 = arith.constant 1280 : i32
      %mul3A_440 = arith.muli %add3A_350, %mul3A_439 : i32
      %add3A_441 = arith.constant 1024 : i32
      %add3A_442 = arith.addi %mul3A_440, %add3A_441 : i32
      %dma_start3A_443 = arith.constant 1024 : i32
      %dma_start3A_444 = arith.constant 0 : i32
      %dma_start3A_445 = tpu.memref_slice %arg6[%dma_start3A_443, %dma_start3A_444] : memref<2560x32xf32, #tpu.memory_space<vmem>> -> memref<128x32xf32, #tpu.memory_space<vmem>>
      %dma_start3A_446 = tpu.memref_slice %arg5[%add3A_442] : memref<25600xi32, #tpu.memory_space<vmem>> -> memref<128xi32, #tpu.memory_space<vmem>>
      %dma_start3A_447 = arith.constant 0 : i32
      %dma_start3A_448 = arith.constant 0 : i32
      %dma_start3A_449 = tpu.memref_slice %arg3[%dma_start3A_447, %dma_start3A_448] : memref<1000000x32xf32, #tpu.memory_space<hbm>> -> memref<1000000x32xf32, #tpu.memory_space<hbm>>
      tpu.enqueue_indirect_dma source(%dma_start3A_449 : memref<1000000x32xf32, #tpu.memory_space<hbm>>) target(%dma_start3A_445 : memref<128x32xf32, #tpu.memory_space<vmem>>) offsets(%dma_start3A_446 : memref<128xi32, #tpu.memory_space<vmem>>) semaphore(%arg7 : memref<!tpu.dma_semaphore, #tpu.memory_space<semaphore_mem>>)
      %mul3A_450 = arith.constant 1280 : i32
      %mul3A_451 = arith.muli %add3A_350, %mul3A_450 : i32
      %add3A_452 = arith.constant 1152 : i32
      %add3A_453 = arith.addi %mul3A_451, %add3A_452 : i32
      %dma_start3A_454 = arith.constant 1152 : i32
      %dma_start3A_455 = arith.constant 0 : i32
      %dma_start3A_456 = tpu.memref_slice %arg6[%dma_start3A_454, %dma_start3A_455] : memref<2560x32xf32, #tpu.memory_space<vmem>> -> memref<128x32xf32, #tpu.memory_space<vmem>>
      %dma_start3A_457 = tpu.memref_slice %arg5[%add3A_453] : memref<25600xi32, #tpu.memory_space<vmem>> -> memref<128xi32, #tpu.memory_space<vmem>>
      %dma_start3A_458 = arith.constant 0 : i32
      %dma_start3A_459 = arith.constant 0 : i32
      %dma_start3A_460 = tpu.memref_slice %arg3[%dma_start3A_458, %dma_start3A_459] : memref<1000000x32xf32, #tpu.memory_space<hbm>> -> memref<1000000x32xf32, #tpu.memory_space<hbm>>
      tpu.enqueue_indirect_dma source(%dma_start3A_460 : memref<1000000x32xf32, #tpu.memory_space<hbm>>) target(%dma_start3A_456 : memref<128x32xf32, #tpu.memory_space<vmem>>) offsets(%dma_start3A_457 : memref<128xi32, #tpu.memory_space<vmem>>) semaphore(%arg7 : memref<!tpu.dma_semaphore, #tpu.memory_space<semaphore_mem>>)
      %dma_wait3A_461 = arith.constant 1280 : i32
      %dma_wait3A_462 = arith.constant 0 : i32
      %dma_wait3A_463 = tpu.memref_slice %arg6[%dma_wait3A_461, %dma_wait3A_462] : memref<2560x32xf32, #tpu.memory_space<vmem>> -> memref<1280x32xf32, #tpu.memory_space<vmem>>
      %dma_wait3A_464 = arith.constant 0 : i32
      %dma_wait3A_465 = arith.constant 0 : i32
      %dma_wait3A_466 = tpu.memref_slice %arg4[%dma_wait3A_464, %dma_wait3A_465] : memref<819200x32xf32, #tpu.memory_space<hbm>> -> memref<1280x32xf32, #tpu.memory_space<hbm>>
      %dma_wait3A_467 = arith.constant 1280 : i32
      %dma_wait3A_468 = arith.constant 0 : i32
      %dma_wait3A_469 = tpu.memref_slice %arg6[%dma_wait3A_467, %dma_wait3A_468] : memref<2560x32xf32, #tpu.memory_space<vmem>> -> memref<1280x32xf32, #tpu.memory_space<vmem>>
      %dma_wait3A_470 = arith.constant 0 : i32
      %dma_wait3A_471 = arith.constant 0 : i32
      %dma_wait3A_472 = tpu.memref_slice %arg4[%dma_wait3A_470, %dma_wait3A_471] : memref<819200x32xf32, #tpu.memory_space<hbm>> -> memref<1280x32xf32, #tpu.memory_space<hbm>>
      tpu.wait_dma2 semaphore(%arg8 : memref<!tpu.dma_semaphore, #tpu.memory_space<semaphore_mem>>) src(%dma_wait3A_472 : memref<1280x32xf32, #tpu.memory_space<hbm>>) dst(%dma_wait3A_469 : memref<1280x32xf32, #tpu.memory_space<vmem>>)
      %scan3A_473 = arith.constant 0 : i32
      %scan3A_474 = arith.constant 0 : i32
      %scan3A_475 = arith.constant 160 : i32
      %scan3A_476 = arith.addi %scan3A_474, %scan3A_475 : i32
      %scan3A_477 = arith.constant 1 : i32
      %scan3A_478 = scf.for %scan3A_486 = %scan3A_474 to %scan3A_476 step %scan3A_477 iter_args(%scan3A_487 = %scan3A_473) -> (i32)  : i32 {
        %mul3A_488 = arith.constant 8 : i32
        %mul3A_489 = arith.muli %scan3A_486, %mul3A_488 : i32
        %add3A_490 = arith.constant 1280 : i32
        %add3A_491 = arith.addi %add3A_490, %mul3A_489 : i32
        %add3A_492 = arith.constant 0 : i32
        %add3A_493 = arith.addi %add3A_491, %add3A_492 : i32
        %get3A = arith.index_cast %add3A_493 : i32 to index
        %get3A_494 = arith.constant 0 : index
        %get3A_495 = tpu.vector_load %arg6[%get3A, %get3A_494] {strides = array<i32>} : memref<2560x32xf32, #tpu.memory_space<vmem>>, vector<1x16xf32>,
        %get3A_496 = vector.shape_cast %get3A_495 : vector<1x16xf32> to vector<16xf32>
        %mul3A_497 = arith.constant 5.65685415 : f32
        %mul3A_498 = vector.broadcast %mul3A_497 : f32 to vector<16xf32>
        %mul3A_499 = arith.mulf %get3A_496, %mul3A_498 : vector<16xf32>
        %add3A_500 = arith.constant 0 : i32
        %add3A_501 = arith.addi %add3A_491, %add3A_500 : i32
        %swap3A = arith.index_cast %add3A_501 : i32 to index
        %swap3A_502 = arith.constant 0 : index
        %swap3A_503 = tpu.vector_load %arg6[%swap3A, %swap3A_502] {strides = array<i32>} : memref<2560x32xf32, #tpu.memory_space<vmem>>, vector<1x16xf32>,
        %swap3A_504 = vector.shape_cast %swap3A_503 : vector<1x16xf32> to vector<16xf32>
        %swap3A_505 = vector.shape_cast %mul3A_499 : vector<16xf32> to vector<1x16xf32>
        tpu.vector_store %arg6[%swap3A, %swap3A_502], %swap3A_505 {strides = array<i32>} : memref<2560x32xf32, #tpu.memory_space<vmem>>, vector<1x16xf32>,
        %add3A_506 = arith.constant 0 : i32
        %add3A_507 = arith.addi %add3A_491, %add3A_506 : i32
        %get3A_508 = arith.index_cast %add3A_507 : i32 to index
        %get3A_509 = arith.constant 16 : index
        %get3A_510 = tpu.vector_load %arg6[%get3A_508, %get3A_509] {strides = array<i32>} : memref<2560x32xf32, #tpu.memory_space<vmem>>, vector<1x16xf32>,
        %get3A_511 = vector.shape_cast %get3A_510 : vector<1x16xf32> to vector<16xf32>
        %mul3A_512 = arith.constant 5.65685415 : f32
        %mul3A_513 = vector.broadcast %mul3A_512 : f32 to vector<16xf32>
        %mul3A_514 = arith.mulf %get3A_511, %mul3A_513 : vector<16xf32>
        %add3A_515 = arith.constant 0 : i32
        %add3A_516 = arith.addi %add3A_491, %add3A_515 : i32
        %swap3A_517 = arith.index_cast %add3A_516 : i32 to index
        %swap3A_518 = arith.constant 16 : index
        %swap3A_519 = tpu.vector_load %arg6[%swap3A_517, %swap3A_518] {strides = array<i32>} : memref<2560x32xf32, #tpu.memory_space<vmem>>, vector<1x16xf32>,
        %swap3A_520 = vector.shape_cast %swap3A_519 : vector<1x16xf32> to vector<16xf32>
        %swap3A_521 = vector.shape_cast %mul3A_514 : vector<16xf32> to vector<1x16xf32>
        tpu.vector_store %arg6[%swap3A_517, %swap3A_518], %swap3A_521 {strides = array<i32>} : memref<2560x32xf32, #tpu.memory_space<vmem>>, vector<1x16xf32>,
        %add3A_522 = arith.constant 1 : i32
        %add3A_523 = arith.addi %add3A_491, %add3A_522 : i32
        %get3A_524 = arith.index_cast %add3A_523 : i32 to index
        %get3A_525 = arith.constant 0 : index
        %get3A_526 = tpu.vector_load %arg6[%get3A_524, %get3A_525] {strides = array<i32>} : memref<2560x32xf32, #tpu.memory_space<vmem>>, vector<1x16xf32>,
        %get3A_527 = vector.shape_cast %get3A_526 : vector<1x16xf32> to vector<16xf32>
        %mul3A_528 = arith.constant 5.65685415 : f32
        %mul3A_529 = vector.broadcast %mul3A_528 : f32 to vector<16xf32>
        %mul3A_530 = arith.mulf %get3A_527, %mul3A_529 : vector<16xf32>
        %add3A_531 = arith.constant 1 : i32
        %add3A_532 = arith.addi %add3A_491, %add3A_531 : i32
        %swap3A_533 = arith.index_cast %add3A_532 : i32 to index
        %swap3A_534 = arith.constant 0 : index
        %swap3A_535 = tpu.vector_load %arg6[%swap3A_533, %swap3A_534] {strides = array<i32>} : memref<2560x32xf32, #tpu.memory_space<vmem>>, vector<1x16xf32>,
        %swap3A_536 = vector.shape_cast %swap3A_535 : vector<1x16xf32> to vector<16xf32>
        %swap3A_537 = vector.shape_cast %mul3A_530 : vector<16xf32> to vector<1x16xf32>
        tpu.vector_store %arg6[%swap3A_533, %swap3A_534], %swap3A_537 {strides = array<i32>} : memref<2560x32xf32, #tpu.memory_space<vmem>>, vector<1x16xf32>,
        %add3A_538 = arith.constant 1 : i32
        %add3A_539 = arith.addi %add3A_491, %add3A_538 : i32
        %get3A_540 = arith.index_cast %add3A_539 : i32 to index
        %get3A_541 = arith.constant 16 : index
        %get3A_542 = tpu.vector_load %arg6[%get3A_540, %get3A_541] {strides = array<i32>} : memref<2560x32xf32, #tpu.memory_space<vmem>>, vector<1x16xf32>,
        %get3A_543 = vector.shape_cast %get3A_542 : vector<1x16xf32> to vector<16xf32>
        %mul3A_544 = arith.constant 5.65685415 : f32
        %mul3A_545 = vector.broadcast %mul3A_544 : f32 to vector<16xf32>
        %mul3A_546 = arith.mulf %get3A_543, %mul3A_545 : vector<16xf32>
        %add3A_547 = arith.constant 1 : i32
        %add3A_548 = arith.addi %add3A_491, %add3A_547 : i32
        %swap3A_549 = arith.index_cast %add3A_548 : i32 to index
        %swap3A_550 = arith.constant 16 : index
        %swap3A_551 = tpu.vector_load %arg6[%swap3A_549, %swap3A_550] {strides = array<i32>} : memref<2560x32xf32, #tpu.memory_space<vmem>>, vector<1x16xf32>,
        %swap3A_552 = vector.shape_cast %swap3A_551 : vector<1x16xf32> to vector<16xf32>
        %swap3A_553 = vector.shape_cast %mul3A_546 : vector<16xf32> to vector<1x16xf32>
        tpu.vector_store %arg6[%swap3A_549, %swap3A_550], %swap3A_553 {strides = array<i32>} : memref<2560x32xf32, #tpu.memory_space<vmem>>, vector<1x16xf32>,
        %add3A_554 = arith.constant 2 : i32
        %add3A_555 = arith.addi %add3A_491, %add3A_554 : i32
        %get3A_556 = arith.index_cast %add3A_555 : i32 to index
        %get3A_557 = arith.constant 0 : index
        %get3A_558 = tpu.vector_load %arg6[%get3A_556, %get3A_557] {strides = array<i32>} : memref<2560x32xf32, #tpu.memory_space<vmem>>, vector<1x16xf32>,
        %get3A_559 = vector.shape_cast %get3A_558 : vector<1x16xf32> to vector<16xf32>
        %mul3A_560 = arith.constant 5.65685415 : f32
        %mul3A_561 = vector.broadcast %mul3A_560 : f32 to vector<16xf32>
        %mul3A_562 = arith.mulf %get3A_559, %mul3A_561 : vector<16xf32>
        %add3A_563 = arith.constant 2 : i32
        %add3A_564 = arith.addi %add3A_491, %add3A_563 : i32
        %swap3A_565 = arith.index_cast %add3A_564 : i32 to index
        %swap3A_566 = arith.constant 0 : index
        %swap3A_567 = tpu.vector_load %arg6[%swap3A_565, %swap3A_566] {strides = array<i32>} : memref<2560x32xf32, #tpu.memory_space<vmem>>, vector<1x16xf32>,
        %swap3A_568 = vector.shape_cast %swap3A_567 : vector<1x16xf32> to vector<16xf32>
        %swap3A_569 = vector.shape_cast %mul3A_562 : vector<16xf32> to vector<1x16xf32>
        tpu.vector_store %arg6[%swap3A_565, %swap3A_566], %swap3A_569 {strides = array<i32>} : memref<2560x32xf32, #tpu.memory_space<vmem>>, vector<1x16xf32>,
        %add3A_570 = arith.constant 2 : i32
        %add3A_571 = arith.addi %add3A_491, %add3A_570 : i32
        %get3A_572 = arith.index_cast %add3A_571 : i32 to index
        %get3A_573 = arith.constant 16 : index
        %get3A_574 = tpu.vector_load %arg6[%get3A_572, %get3A_573] {strides = array<i32>} : memref<2560x32xf32, #tpu.memory_space<vmem>>, vector<1x16xf32>,
        %get3A_575 = vector.shape_cast %get3A_574 : vector<1x16xf32> to vector<16xf32>
        %mul3A_576 = arith.constant 5.65685415 : f32
        %mul3A_577 = vector.broadcast %mul3A_576 : f32 to vector<16xf32>
        %mul3A_578 = arith.mulf %get3A_575, %mul3A_577 : vector<16xf32>
        %add3A_579 = arith.constant 2 : i32
        %add3A_580 = arith.addi %add3A_491, %add3A_579 : i32
        %swap3A_581 = arith.index_cast %add3A_580 : i32 to index
        %swap3A_582 = arith.constant 16 : index
        %swap3A_583 = tpu.vector_load %arg6[%swap3A_581, %swap3A_582] {strides = array<i32>} : memref<2560x32xf32, #tpu.memory_space<vmem>>, vector<1x16xf32>,
        %swap3A_584 = vector.shape_cast %swap3A_583 : vector<1x16xf32> to vector<16xf32>
        %swap3A_585 = vector.shape_cast %mul3A_578 : vector<16xf32> to vector<1x16xf32>
        tpu.vector_store %arg6[%swap3A_581, %swap3A_582], %swap3A_585 {strides = array<i32>} : memref<2560x32xf32, #tpu.memory_space<vmem>>, vector<1x16xf32>,
        %add3A_586 = arith.constant 3 : i32
        %add3A_587 = arith.addi %add3A_491, %add3A_586 : i32
        %get3A_588 = arith.index_cast %add3A_587 : i32 to index
        %get3A_589 = arith.constant 0 : index
        %get3A_590 = tpu.vector_load %arg6[%get3A_588, %get3A_589] {strides = array<i32>} : memref<2560x32xf32, #tpu.memory_space<vmem>>, vector<1x16xf32>,
        %get3A_591 = vector.shape_cast %get3A_590 : vector<1x16xf32> to vector<16xf32>
        %mul3A_592 = arith.constant 5.65685415 : f32
        %mul3A_593 = vector.broadcast %mul3A_592 : f32 to vector<16xf32>
        %mul3A_594 = arith.mulf %get3A_591, %mul3A_593 : vector<16xf32>
        %add3A_595 = arith.constant 3 : i32
        %add3A_596 = arith.addi %add3A_491, %add3A_595 : i32
        %swap3A_597 = arith.index_cast %add3A_596 : i32 to index
        %swap3A_598 = arith.constant 0 : index
        %swap3A_599 = tpu.vector_load %arg6[%swap3A_597, %swap3A_598] {strides = array<i32>} : memref<2560x32xf32, #tpu.memory_space<vmem>>, vector<1x16xf32>,
        %swap3A_600 = vector.shape_cast %swap3A_599 : vector<1x16xf32> to vector<16xf32>
        %swap3A_601 = vector.shape_cast %mul3A_594 : vector<16xf32> to vector<1x16xf32>
        tpu.vector_store %arg6[%swap3A_597, %swap3A_598], %swap3A_601 {strides = array<i32>} : memref<2560x32xf32, #tpu.memory_space<vmem>>, vector<1x16xf32>,
        %add3A_602 = arith.constant 3 : i32
        %add3A_603 = arith.addi %add3A_491, %add3A_602 : i32
        %get3A_604 = arith.index_cast %add3A_603 : i32 to index
        %get3A_605 = arith.constant 16 : index
        %get3A_606 = tpu.vector_load %arg6[%get3A_604, %get3A_605] {strides = array<i32>} : memref<2560x32xf32, #tpu.memory_space<vmem>>, vector<1x16xf32>,
        %get3A_607 = vector.shape_cast %get3A_606 : vector<1x16xf32> to vector<16xf32>
        %mul3A_608 = arith.constant 5.65685415 : f32
        %mul3A_609 = vector.broadcast %mul3A_608 : f32 to vector<16xf32>
        %mul3A_610 = arith.mulf %get3A_607, %mul3A_609 : vector<16xf32>
        %add3A_611 = arith.constant 3 : i32
        %add3A_612 = arith.addi %add3A_491, %add3A_611 : i32
        %swap3A_613 = arith.index_cast %add3A_612 : i32 to index
        %swap3A_614 = arith.constant 16 : index
        %swap3A_615 = tpu.vector_load %arg6[%swap3A_613, %swap3A_614] {strides = array<i32>} : memref<2560x32xf32, #tpu.memory_space<vmem>>, vector<1x16xf32>,
        %swap3A_616 = vector.shape_cast %swap3A_615 : vector<1x16xf32> to vector<16xf32>
        %swap3A_617 = vector.shape_cast %mul3A_610 : vector<16xf32> to vector<1x16xf32>
        tpu.vector_store %arg6[%swap3A_613, %swap3A_614], %swap3A_617 {strides = array<i32>} : memref<2560x32xf32, #tpu.memory_space<vmem>>, vector<1x16xf32>,
        %add3A_618 = arith.constant 4 : i32
        %add3A_619 = arith.addi %add3A_491, %add3A_618 : i32
        %get3A_620 = arith.index_cast %add3A_619 : i32 to index
        %get3A_621 = arith.constant 0 : index
        %get3A_622 = tpu.vector_load %arg6[%get3A_620, %get3A_621] {strides = array<i32>} : memref<2560x32xf32, #tpu.memory_space<vmem>>, vector<1x16xf32>,
        %get3A_623 = vector.shape_cast %get3A_622 : vector<1x16xf32> to vector<16xf32>
        %mul3A_624 = arith.constant 5.65685415 : f32
        %mul3A_625 = vector.broadcast %mul3A_624 : f32 to vector<16xf32>
        %mul3A_626 = arith.mulf %get3A_623, %mul3A_625 : vector<16xf32>
        %add3A_627 = arith.constant 4 : i32
        %add3A_628 = arith.addi %add3A_491, %add3A_627 : i32
        %swap3A_629 = arith.index_cast %add3A_628 : i32 to index
        %swap3A_630 = arith.constant 0 : index
        %swap3A_631 = tpu.vector_load %arg6[%swap3A_629, %swap3A_630] {strides = array<i32>} : memref<2560x32xf32, #tpu.memory_space<vmem>>, vector<1x16xf32>,
        %swap3A_632 = vector.shape_cast %swap3A_631 : vector<1x16xf32> to vector<16xf32>
        %swap3A_633 = vector.shape_cast %mul3A_626 : vector<16xf32> to vector<1x16xf32>
        tpu.vector_store %arg6[%swap3A_629, %swap3A_630], %swap3A_633 {strides = array<i32>} : memref<2560x32xf32, #tpu.memory_space<vmem>>, vector<1x16xf32>,
        %add3A_634 = arith.constant 4 : i32
        %add3A_635 = arith.addi %add3A_491, %add3A_634 : i32
        %get3A_636 = arith.index_cast %add3A_635 : i32 to index
        %get3A_637 = arith.constant 16 : index
        %get3A_638 = tpu.vector_load %arg6[%get3A_636, %get3A_637] {strides = array<i32>} : memref<2560x32xf32, #tpu.memory_space<vmem>>, vector<1x16xf32>,
        %get3A_639 = vector.shape_cast %get3A_638 : vector<1x16xf32> to vector<16xf32>
        %mul3A_640 = arith.constant 5.65685415 : f32
        %mul3A_641 = vector.broadcast %mul3A_640 : f32 to vector<16xf32>
        %mul3A_642 = arith.mulf %get3A_639, %mul3A_641 : vector<16xf32>
        %add3A_643 = arith.constant 4 : i32
        %add3A_644 = arith.addi %add3A_491, %add3A_643 : i32
        %swap3A_645 = arith.index_cast %add3A_644 : i32 to index
        %swap3A_646 = arith.constant 16 : index
        %swap3A_647 = tpu.vector_load %arg6[%swap3A_645, %swap3A_646] {strides = array<i32>} : memref<2560x32xf32, #tpu.memory_space<vmem>>, vector<1x16xf32>,
        %swap3A_648 = vector.shape_cast %swap3A_647 : vector<1x16xf32> to vector<16xf32>
        %swap3A_649 = vector.shape_cast %mul3A_642 : vector<16xf32> to vector<1x16xf32>
        tpu.vector_store %arg6[%swap3A_645, %swap3A_646], %swap3A_649 {strides = array<i32>} : memref<2560x32xf32, #tpu.memory_space<vmem>>, vector<1x16xf32>,
        %add3A_650 = arith.constant 5 : i32
        %add3A_651 = arith.addi %add3A_491, %add3A_650 : i32
        %get3A_652 = arith.index_cast %add3A_651 : i32 to index
        %get3A_653 = arith.constant 0 : index
        %get3A_654 = tpu.vector_load %arg6[%get3A_652, %get3A_653] {strides = array<i32>} : memref<2560x32xf32, #tpu.memory_space<vmem>>, vector<1x16xf32>,
        %get3A_655 = vector.shape_cast %get3A_654 : vector<1x16xf32> to vector<16xf32>
        %mul3A_656 = arith.constant 5.65685415 : f32
        %mul3A_657 = vector.broadcast %mul3A_656 : f32 to vector<16xf32>
        %mul3A_658 = arith.mulf %get3A_655, %mul3A_657 : vector<16xf32>
        %add3A_659 = arith.constant 5 : i32
        %add3A_660 = arith.addi %add3A_491, %add3A_659 : i32
        %swap3A_661 = arith.index_cast %add3A_660 : i32 to index
        %swap3A_662 = arith.constant 0 : index
        %swap3A_663 = tpu.vector_load %arg6[%swap3A_661, %swap3A_662] {strides = array<i32>} : memref<2560x32xf32, #tpu.memory_space<vmem>>, vector<1x16xf32>,
        %swap3A_664 = vector.shape_cast %swap3A_663 : vector<1x16xf32> to vector<16xf32>
        %swap3A_665 = vector.shape_cast %mul3A_658 : vector<16xf32> to vector<1x16xf32>
        tpu.vector_store %arg6[%swap3A_661, %swap3A_662], %swap3A_665 {strides = array<i32>} : memref<2560x32xf32, #tpu.memory_space<vmem>>, vector<1x16xf32>,
        %add3A_666 = arith.constant 5 : i32
        %add3A_667 = arith.addi %add3A_491, %add3A_666 : i32
        %get3A_668 = arith.index_cast %add3A_667 : i32 to index
        %get3A_669 = arith.constant 16 : index
        %get3A_670 = tpu.vector_load %arg6[%get3A_668, %get3A_669] {strides = array<i32>} : memref<2560x32xf32, #tpu.memory_space<vmem>>, vector<1x16xf32>,
        %get3A_671 = vector.shape_cast %get3A_670 : vector<1x16xf32> to vector<16xf32>
        %mul3A_672 = arith.constant 5.65685415 : f32
        %mul3A_673 = vector.broadcast %mul3A_672 : f32 to vector<16xf32>
        %mul3A_674 = arith.mulf %get3A_671, %mul3A_673 : vector<16xf32>
        %add3A_675 = arith.constant 5 : i32
        %add3A_676 = arith.addi %add3A_491, %add3A_675 : i32
        %swap3A_677 = arith.index_cast %add3A_676 : i32 to index
        %swap3A_678 = arith.constant 16 : index
        %swap3A_679 = tpu.vector_load %arg6[%swap3A_677, %swap3A_678] {strides = array<i32>} : memref<2560x32xf32, #tpu.memory_space<vmem>>, vector<1x16xf32>,
        %swap3A_680 = vector.shape_cast %swap3A_679 : vector<1x16xf32> to vector<16xf32>
        %swap3A_681 = vector.shape_cast %mul3A_674 : vector<16xf32> to vector<1x16xf32>
        tpu.vector_store %arg6[%swap3A_677, %swap3A_678], %swap3A_681 {strides = array<i32>} : memref<2560x32xf32, #tpu.memory_space<vmem>>, vector<1x16xf32>,
        %add3A_682 = arith.constant 6 : i32
        %add3A_683 = arith.addi %add3A_491, %add3A_682 : i32
        %get3A_684 = arith.index_cast %add3A_683 : i32 to index
        %get3A_685 = arith.constant 0 : index
        %get3A_686 = tpu.vector_load %arg6[%get3A_684, %get3A_685] {strides = array<i32>} : memref<2560x32xf32, #tpu.memory_space<vmem>>, vector<1x16xf32>,
        %get3A_687 = vector.shape_cast %get3A_686 : vector<1x16xf32> to vector<16xf32>
        %mul3A_688 = arith.constant 5.65685415 : f32
        %mul3A_689 = vector.broadcast %mul3A_688 : f32 to vector<16xf32>
        %mul3A_690 = arith.mulf %get3A_687, %mul3A_689 : vector<16xf32>
        %add3A_691 = arith.constant 6 : i32
        %add3A_692 = arith.addi %add3A_491, %add3A_691 : i32
        %swap3A_693 = arith.index_cast %add3A_692 : i32 to index
        %swap3A_694 = arith.constant 0 : index
        %swap3A_695 = tpu.vector_load %arg6[%swap3A_693, %swap3A_694] {strides = array<i32>} : memref<2560x32xf32, #tpu.memory_space<vmem>>, vector<1x16xf32>,
        %swap3A_696 = vector.shape_cast %swap3A_695 : vector<1x16xf32> to vector<16xf32>
        %swap3A_697 = vector.shape_cast %mul3A_690 : vector<16xf32> to vector<1x16xf32>
        tpu.vector_store %arg6[%swap3A_693, %swap3A_694], %swap3A_697 {strides = array<i32>} : memref<2560x32xf32, #tpu.memory_space<vmem>>, vector<1x16xf32>,
        %add3A_698 = arith.constant 6 : i32
        %add3A_699 = arith.addi %add3A_491, %add3A_698 : i32
        %get3A_700 = arith.index_cast %add3A_699 : i32 to index
        %get3A_701 = arith.constant 16 : index
        %get3A_702 = tpu.vector_load %arg6[%get3A_700, %get3A_701] {strides = array<i32>} : memref<2560x32xf32, #tpu.memory_space<vmem>>, vector<1x16xf32>,
        %get3A_703 = vector.shape_cast %get3A_702 : vector<1x16xf32> to vector<16xf32>
        %mul3A_704 = arith.constant 5.65685415 : f32
        %mul3A_705 = vector.broadcast %mul3A_704 : f32 to vector<16xf32>
        %mul3A_706 = arith.mulf %get3A_703, %mul3A_705 : vector<16xf32>
        %add3A_707 = arith.constant 6 : i32
        %add3A_708 = arith.addi %add3A_491, %add3A_707 : i32
        %swap3A_709 = arith.index_cast %add3A_708 : i32 to index
        %swap3A_710 = arith.constant 16 : index
        %swap3A_711 = tpu.vector_load %arg6[%swap3A_709, %swap3A_710] {strides = array<i32>} : memref<2560x32xf32, #tpu.memory_space<vmem>>, vector<1x16xf32>,
        %swap3A_712 = vector.shape_cast %swap3A_711 : vector<1x16xf32> to vector<16xf32>
        %swap3A_713 = vector.shape_cast %mul3A_706 : vector<16xf32> to vector<1x16xf32>
        tpu.vector_store %arg6[%swap3A_709, %swap3A_710], %swap3A_713 {strides = array<i32>} : memref<2560x32xf32, #tpu.memory_space<vmem>>, vector<1x16xf32>,
        %add3A_714 = arith.constant 7 : i32
        %add3A_715 = arith.addi %add3A_491, %add3A_714 : i32
        %get3A_716 = arith.index_cast %add3A_715 : i32 to index
        %get3A_717 = arith.constant 0 : index
        %get3A_718 = tpu.vector_load %arg6[%get3A_716, %get3A_717] {strides = array<i32>} : memref<2560x32xf32, #tpu.memory_space<vmem>>, vector<1x16xf32>,
        %get3A_719 = vector.shape_cast %get3A_718 : vector<1x16xf32> to vector<16xf32>
        %mul3A_720 = arith.constant 5.65685415 : f32
        %mul3A_721 = vector.broadcast %mul3A_720 : f32 to vector<16xf32>
        %mul3A_722 = arith.mulf %get3A_719, %mul3A_721 : vector<16xf32>
        %add3A_723 = arith.constant 7 : i32
        %add3A_724 = arith.addi %add3A_491, %add3A_723 : i32
        %swap3A_725 = arith.index_cast %add3A_724 : i32 to index
        %swap3A_726 = arith.constant 0 : index
        %swap3A_727 = tpu.vector_load %arg6[%swap3A_725, %swap3A_726] {strides = array<i32>} : memref<2560x32xf32, #tpu.memory_space<vmem>>, vector<1x16xf32>,
        %swap3A_728 = vector.shape_cast %swap3A_727 : vector<1x16xf32> to vector<16xf32>
        %swap3A_729 = vector.shape_cast %mul3A_722 : vector<16xf32> to vector<1x16xf32>
        tpu.vector_store %arg6[%swap3A_725, %swap3A_726], %swap3A_729 {strides = array<i32>} : memref<2560x32xf32, #tpu.memory_space<vmem>>, vector<1x16xf32>,
        %add3A_730 = arith.constant 7 : i32
        %add3A_731 = arith.addi %add3A_491, %add3A_730 : i32
        %get3A_732 = arith.index_cast %add3A_731 : i32 to index
        %get3A_733 = arith.constant 16 : index
        %get3A_734 = tpu.vector_load %arg6[%get3A_732, %get3A_733] {strides = array<i32>} : memref<2560x32xf32, #tpu.memory_space<vmem>>, vector<1x16xf32>,
        %get3A_735 = vector.shape_cast %get3A_734 : vector<1x16xf32> to vector<16xf32>
        %mul3A_736 = arith.constant 5.65685415 : f32
        %mul3A_737 = vector.broadcast %mul3A_736 : f32 to vector<16xf32>
        %mul3A_738 = arith.mulf %get3A_735, %mul3A_737 : vector<16xf32>
        %add3A_739 = arith.constant 7 : i32
        %add3A_740 = arith.addi %add3A_491, %add3A_739 : i32
        %swap3A_741 = arith.index_cast %add3A_740 : i32 to index
        %swap3A_742 = arith.constant 16 : index
        %swap3A_743 = tpu.vector_load %arg6[%swap3A_741, %swap3A_742] {strides = array<i32>} : memref<2560x32xf32, #tpu.memory_space<vmem>>, vector<1x16xf32>,
        %swap3A_744 = vector.shape_cast %swap3A_743 : vector<1x16xf32> to vector<16xf32>
        %swap3A_745 = vector.shape_cast %mul3A_738 : vector<16xf32> to vector<1x16xf32>
        tpu.vector_store %arg6[%swap3A_741, %swap3A_742], %swap3A_745 {strides = array<i32>} : memref<2560x32xf32, #tpu.memory_space<vmem>>, vector<1x16xf32>,
        %scan3A_746 = arith.constant 0 : i32
        scf.yield %scan3A_746 : i32
      }
      %scan3A_479 = arith.constant 160 : i32
      %add3A_480 = arith.constant 1 : i32
      %add3A_481 = arith.addi %mul3A_214, %add3A_480 : i32
      %mul3A_482 = arith.constant 1280 : i32
      %mul3A_483 = arith.muli %add3A_481, %mul3A_482 : i32
      %add3A_484 = arith.addi %mul3A_4, %mul3A_483 : i32
      "tpu.region"() ({
        %run_scoped3A = tpu.sem_alloc : memref<!tpu.dma_semaphore, #tpu.memory_space<semaphore_mem>>
        %dma_start3A_486 = arith.constant 1280 : i32
        %dma_start3A_487 = arith.constant 0 : i32
        %dma_start3A_488 = tpu.memref_slice %arg6[%dma_start3A_486, %dma_start3A_487] : memref<2560x32xf32, #tpu.memory_space<vmem>> -> memref<1280x32xf32, #tpu.memory_space<vmem>>
        %dma_start3A_489 = arith.constant 0 : i32
        %dma_start3A_490 = tpu.memref_slice %arg4[%add3A_484, %dma_start3A_489] : memref<819200x32xf32, #tpu.memory_space<hbm>> -> memref<1280x32xf32, #tpu.memory_space<hbm>>
        %dma_start3A_491 = arith.constant 0 : i32
        %dma_start3A_492 = tpu.memref_slice %arg4[%add3A_484, %dma_start3A_491] : memref<819200x32xf32, #tpu.memory_space<hbm>> -> memref<1280x32xf32, #tpu.memory_space<hbm>>
        %dma_start3A_493 = arith.constant 1280 : i32
        %dma_start3A_494 = arith.constant 0 : i32
        %dma_start3A_495 = tpu.memref_slice %arg6[%dma_start3A_493, %dma_start3A_494] : memref<2560x32xf32, #tpu.memory_space<vmem>> -> memref<1280x32xf32, #tpu.memory_space<vmem>>
        tpu.enqueue_dma source(%dma_start3A_495 : memref<1280x32xf32, #tpu.memory_space<vmem>>) target(%dma_start3A_492 : memref<1280x32xf32, #tpu.memory_space<hbm>>) target_semaphore(%run_scoped3A : memref<!tpu.dma_semaphore, #tpu.memory_space<semaphore_mem>>)
        %dma_wait3A_496 = arith.constant 1280 : i32
        %dma_wait3A_497 = arith.constant 0 : i32
        %dma_wait3A_498 = tpu.memref_slice %arg6[%dma_wait3A_496, %dma_wait3A_497] : memref<2560x32xf32, #tpu.memory_space<vmem>> -> memref<1280x32xf32, #tpu.memory_space<vmem>>
        %dma_wait3A_499 = arith.constant 0 : i32
        %dma_wait3A_500 = tpu.memref_slice %arg4[%add3A_484, %dma_wait3A_499] : memref<819200x32xf32, #tpu.memory_space<hbm>> -> memref<1280x32xf32, #tpu.memory_space<hbm>>
        %dma_wait3A_501 = arith.constant 0 : i32
        %dma_wait3A_502 = tpu.memref_slice %arg4[%add3A_484, %dma_wait3A_501] : memref<819200x32xf32, #tpu.memory_space<hbm>> -> memref<1280x32xf32, #tpu.memory_space<hbm>>
        %dma_wait3A_503 = arith.constant 1280 : i32
        %dma_wait3A_504 = arith.constant 0 : i32
        %dma_wait3A_505 = tpu.memref_slice %arg6[%dma_wait3A_503, %dma_wait3A_504] : memref<2560x32xf32, #tpu.memory_space<vmem>> -> memref<1280x32xf32, #tpu.memory_space<vmem>>
        tpu.wait_dma2 semaphore(%run_scoped3A : memref<!tpu.dma_semaphore, #tpu.memory_space<semaphore_mem>>) src(%dma_wait3A_505 : memref<1280x32xf32, #tpu.memory_space<vmem>>) dst(%dma_wait3A_502 : memref<1280x32xf32, #tpu.memory_space<hbm>>)
        tpu.yield
      }) : () -> ()
      %scan3A_485 = arith.constant 0 : i32
      scf.yield %scan3A_485 : i32
    }
    %scan3A_89 = arith.constant 9 : i32
    %dma_start3A_90 = arith.constant 1280 : i32
    %dma_start3A_91 = arith.constant 0 : i32
    %dma_start3A_92 = tpu.memref_slice %arg6[%dma_start3A_90, %dma_start3A_91] : memref<2560x32xf32, #tpu.memory_space<vmem>> -> memref<128x32xf32, #tpu.memory_space<vmem>>
    %dma_start3A_93 = arith.constant 24320 : i32
    %dma_start3A_94 = tpu.memref_slice %arg5[%dma_start3A_93] : memref<25600xi32, #tpu.memory_space<vmem>> -> memref<128xi32, #tpu.memory_space<vmem>>
    %dma_start3A_95 = arith.constant 0 : i32
    %dma_start3A_96 = arith.constant 0 : i32
    %dma_start3A_97 = tpu.memref_slice %arg3[%dma_start3A_95, %dma_start3A_96] : memref<1000000x32xf32, #tpu.memory_space<hbm>> -> memref<1000000x32xf32, #tpu.memory_space<hbm>>
    tpu.enqueue_indirect_dma source(%dma_start3A_97 : memref<1000000x32xf32, #tpu.memory_space<hbm>>) target(%dma_start3A_92 : memref<128x32xf32, #tpu.memory_space<vmem>>) offsets(%dma_start3A_94 : memref<128xi32, #tpu.memory_space<vmem>>) semaphore(%arg8 : memref<!tpu.dma_semaphore, #tpu.memory_space<semaphore_mem>>)
    %dma_start3A_98 = arith.constant 1408 : i32
    %dma_start3A_99 = arith.constant 0 : i32
    %dma_start3A_100 = tpu.memref_slice %arg6[%dma_start3A_98, %dma_start3A_99] : memref<2560x32xf32, #tpu.memory_space<vmem>> -> memref<128x32xf32, #tpu.memory_space<vmem>>
    %dma_start3A_101 = arith.constant 24448 : i32
    %dma_start3A_102 = tpu.memref_slice %arg5[%dma_start3A_101] : memref<25600xi32, #tpu.memory_space<vmem>> -> memref<128xi32, #tpu.memory_space<vmem>>
    %dma_start3A_103 = arith.constant 0 : i32
    %dma_start3A_104 = arith.constant 0 : i32
    %dma_start3A_105 = tpu.memref_slice %arg3[%dma_start3A_103, %dma_start3A_104] : memref<1000000x32xf32, #tpu.memory_space<hbm>> -> memref<1000000x32xf32, #tpu.memory_space<hbm>>
    tpu.enqueue_indirect_dma source(%dma_start3A_105 : memref<1000000x32xf32, #tpu.memory_space<hbm>>) target(%dma_start3A_100 : memref<128x32xf32, #tpu.memory_space<vmem>>) offsets(%dma_start3A_102 : memref<128xi32, #tpu.memory_space<vmem>>) semaphore(%arg8 : memref<!tpu.dma_semaphore, #tpu.memory_space<semaphore_mem>>)
    %dma_start3A_106 = arith.constant 1536 : i32
    %dma_start3A_107 = arith.constant 0 : i32
    %dma_start3A_108 = tpu.memref_slice %arg6[%dma_start3A_106, %dma_start3A_107] : memref<2560x32xf32, #tpu.memory_space<vmem>> -> memref<128x32xf32, #tpu.memory_space<vmem>>
    %dma_start3A_109 = arith.constant 24576 : i32
    %dma_start3A_110 = tpu.memref_slice %arg5[%dma_start3A_109] : memref<25600xi32, #tpu.memory_space<vmem>> -> memref<128xi32, #tpu.memory_space<vmem>>
    %dma_start3A_111 = arith.constant 0 : i32
    %dma_start3A_112 = arith.constant 0 : i32
    %dma_start3A_113 = tpu.memref_slice %arg3[%dma_start3A_111, %dma_start3A_112] : memref<1000000x32xf32, #tpu.memory_space<hbm>> -> memref<1000000x32xf32, #tpu.memory_space<hbm>>
    tpu.enqueue_indirect_dma source(%dma_start3A_113 : memref<1000000x32xf32, #tpu.memory_space<hbm>>) target(%dma_start3A_108 : memref<128x32xf32, #tpu.memory_space<vmem>>) offsets(%dma_start3A_110 : memref<128xi32, #tpu.memory_space<vmem>>) semaphore(%arg8 : memref<!tpu.dma_semaphore, #tpu.memory_space<semaphore_mem>>)
    %dma_start3A_114 = arith.constant 1664 : i32
    %dma_start3A_115 = arith.constant 0 : i32
    %dma_start3A_116 = tpu.memref_slice %arg6[%dma_start3A_114, %dma_start3A_115] : memref<2560x32xf32, #tpu.memory_space<vmem>> -> memref<128x32xf32, #tpu.memory_space<vmem>>
    %dma_start3A_117 = arith.constant 24704 : i32
    %dma_start3A_118 = tpu.memref_slice %arg5[%dma_start3A_117] : memref<25600xi32, #tpu.memory_space<vmem>> -> memref<128xi32, #tpu.memory_space<vmem>>
    %dma_start3A_119 = arith.constant 0 : i32
    %dma_start3A_120 = arith.constant 0 : i32
    %dma_start3A_121 = tpu.memref_slice %arg3[%dma_start3A_119, %dma_start3A_120] : memref<1000000x32xf32, #tpu.memory_space<hbm>> -> memref<1000000x32xf32, #tpu.memory_space<hbm>>
    tpu.enqueue_indirect_dma source(%dma_start3A_121 : memref<1000000x32xf32, #tpu.memory_space<hbm>>) target(%dma_start3A_116 : memref<128x32xf32, #tpu.memory_space<vmem>>) offsets(%dma_start3A_118 : memref<128xi32, #tpu.memory_space<vmem>>) semaphore(%arg8 : memref<!tpu.dma_semaphore, #tpu.memory_space<semaphore_mem>>)
    %dma_start3A_122 = arith.constant 1792 : i32
    %dma_start3A_123 = arith.constant 0 : i32
    %dma_start3A_124 = tpu.memref_slice %arg6[%dma_start3A_122, %dma_start3A_123] : memref<2560x32xf32, #tpu.memory_space<vmem>> -> memref<128x32xf32, #tpu.memory_space<vmem>>
    %dma_start3A_125 = arith.constant 24832 : i32
    %dma_start3A_126 = tpu.memref_slice %arg5[%dma_start3A_125] : memref<25600xi32, #tpu.memory_space<vmem>> -> memref<128xi32, #tpu.memory_space<vmem>>
    %dma_start3A_127 = arith.constant 0 : i32
    %dma_start3A_128 = arith.constant 0 : i32
    %dma_start3A_129 = tpu.memref_slice %arg3[%dma_start3A_127, %dma_start3A_128] : memref<1000000x32xf32, #tpu.memory_space<hbm>> -> memref<1000000x32xf32, #tpu.memory_space<hbm>>
    tpu.enqueue_indirect_dma source(%dma_start3A_129 : memref<1000000x32xf32, #tpu.memory_space<hbm>>) target(%dma_start3A_124 : memref<128x32xf32, #tpu.memory_space<vmem>>) offsets(%dma_start3A_126 : memref<128xi32, #tpu.memory_space<vmem>>) semaphore(%arg8 : memref<!tpu.dma_semaphore, #tpu.memory_space<semaphore_mem>>)
    %dma_start3A_130 = arith.constant 1920 : i32
    %dma_start3A_131 = arith.constant 0 : i32
    %dma_start3A_132 = tpu.memref_slice %arg6[%dma_start3A_130, %dma_start3A_131] : memref<2560x32xf32, #tpu.memory_space<vmem>> -> memref<128x32xf32, #tpu.memory_space<vmem>>
    %dma_start3A_133 = arith.constant 24960 : i32
    %dma_start3A_134 = tpu.memref_slice %arg5[%dma_start3A_133] : memref<25600xi32, #tpu.memory_space<vmem>> -> memref<128xi32, #tpu.memory_space<vmem>>
    %dma_start3A_135 = arith.constant 0 : i32
    %dma_start3A_136 = arith.constant 0 : i32
    %dma_start3A_137 = tpu.memref_slice %arg3[%dma_start3A_135, %dma_start3A_136] : memref<1000000x32xf32, #tpu.memory_space<hbm>> -> memref<1000000x32xf32, #tpu.memory_space<hbm>>
    tpu.enqueue_indirect_dma source(%dma_start3A_137 : memref<1000000x32xf32, #tpu.memory_space<hbm>>) target(%dma_start3A_132 : memref<128x32xf32, #tpu.memory_space<vmem>>) offsets(%dma_start3A_134 : memref<128xi32, #tpu.memory_space<vmem>>) semaphore(%arg8 : memref<!tpu.dma_semaphore, #tpu.memory_space<semaphore_mem>>)
    %dma_start3A_138 = arith.constant 2048 : i32
    %dma_start3A_139 = arith.constant 0 : i32
    %dma_start3A_140 = tpu.memref_slice %arg6[%dma_start3A_138, %dma_start3A_139] : memref<2560x32xf32, #tpu.memory_space<vmem>> -> memref<128x32xf32, #tpu.memory_space<vmem>>
    %dma_start3A_141 = arith.constant 25088 : i32
    %dma_start3A_142 = tpu.memref_slice %arg5[%dma_start3A_141] : memref<25600xi32, #tpu.memory_space<vmem>> -> memref<128xi32, #tpu.memory_space<vmem>>
    %dma_start3A_143 = arith.constant 0 : i32
    %dma_start3A_144 = arith.constant 0 : i32
    %dma_start3A_145 = tpu.memref_slice %arg3[%dma_start3A_143, %dma_start3A_144] : memref<1000000x32xf32, #tpu.memory_space<hbm>> -> memref<1000000x32xf32, #tpu.memory_space<hbm>>
    tpu.enqueue_indirect_dma source(%dma_start3A_145 : memref<1000000x32xf32, #tpu.memory_space<hbm>>) target(%dma_start3A_140 : memref<128x32xf32, #tpu.memory_space<vmem>>) offsets(%dma_start3A_142 : memref<128xi32, #tpu.memory_space<vmem>>) semaphore(%arg8 : memref<!tpu.dma_semaphore, #tpu.memory_space<semaphore_mem>>)
    %dma_start3A_146 = arith.constant 2176 : i32
    %dma_start3A_147 = arith.constant 0 : i32
    %dma_start3A_148 = tpu.memref_slice %arg6[%dma_start3A_146, %dma_start3A_147] : memref<2560x32xf32, #tpu.memory_space<vmem>> -> memref<128x32xf32, #tpu.memory_space<vmem>>
    %dma_start3A_149 = arith.constant 25216 : i32
    %dma_start3A_150 = tpu.memref_slice %arg5[%dma_start3A_149] : memref<25600xi32, #tpu.memory_space<vmem>> -> memref<128xi32, #tpu.memory_space<vmem>>
    %dma_start3A_151 = arith.constant 0 : i32
    %dma_start3A_152 = arith.constant 0 : i32
    %dma_start3A_153 = tpu.memref_slice %arg3[%dma_start3A_151, %dma_start3A_152] : memref<1000000x32xf32, #tpu.memory_space<hbm>> -> memref<1000000x32xf32, #tpu.memory_space<hbm>>
    tpu.enqueue_indirect_dma source(%dma_start3A_153 : memref<1000000x32xf32, #tpu.memory_space<hbm>>) target(%dma_start3A_148 : memref<128x32xf32, #tpu.memory_space<vmem>>) offsets(%dma_start3A_150 : memref<128xi32, #tpu.memory_space<vmem>>) semaphore(%arg8 : memref<!tpu.dma_semaphore, #tpu.memory_space<semaphore_mem>>)
    %dma_start3A_154 = arith.constant 2304 : i32
    %dma_start3A_155 = arith.constant 0 : i32
    %dma_start3A_156 = tpu.memref_slice %arg6[%dma_start3A_154, %dma_start3A_155] : memref<2560x32xf32, #tpu.memory_space<vmem>> -> memref<128x32xf32, #tpu.memory_space<vmem>>
    %dma_start3A_157 = arith.constant 25344 : i32
    %dma_start3A_158 = tpu.memref_slice %arg5[%dma_start3A_157] : memref<25600xi32, #tpu.memory_space<vmem>> -> memref<128xi32, #tpu.memory_space<vmem>>
    %dma_start3A_159 = arith.constant 0 : i32
    %dma_start3A_160 = arith.constant 0 : i32
    %dma_start3A_161 = tpu.memref_slice %arg3[%dma_start3A_159, %dma_start3A_160] : memref<1000000x32xf32, #tpu.memory_space<hbm>> -> memref<1000000x32xf32, #tpu.memory_space<hbm>>
    tpu.enqueue_indirect_dma source(%dma_start3A_161 : memref<1000000x32xf32, #tpu.memory_space<hbm>>) target(%dma_start3A_156 : memref<128x32xf32, #tpu.memory_space<vmem>>) offsets(%dma_start3A_158 : memref<128xi32, #tpu.memory_space<vmem>>) semaphore(%arg8 : memref<!tpu.dma_semaphore, #tpu.memory_space<semaphore_mem>>)
    %dma_start3A_162 = arith.constant 2432 : i32
    %dma_start3A_163 = arith.constant 0 : i32
    %dma_start3A_164 = tpu.memref_slice %arg6[%dma_start3A_162, %dma_start3A_163] : memref<2560x32xf32, #tpu.memory_space<vmem>> -> memref<128x32xf32, #tpu.memory_space<vmem>>
    %dma_start3A_165 = arith.constant 25472 : i32
    %dma_start3A_166 = tpu.memref_slice %arg5[%dma_start3A_165] : memref<25600xi32, #tpu.memory_space<vmem>> -> memref<128xi32, #tpu.memory_space<vmem>>
    %dma_start3A_167 = arith.constant 0 : i32
    %dma_start3A_168 = arith.constant 0 : i32
    %dma_start3A_169 = tpu.memref_slice %arg3[%dma_start3A_167, %dma_start3A_168] : memref<1000000x32xf32, #tpu.memory_space<hbm>> -> memref<1000000x32xf32, #tpu.memory_space<hbm>>
    tpu.enqueue_indirect_dma source(%dma_start3A_169 : memref<1000000x32xf32, #tpu.memory_space<hbm>>) target(%dma_start3A_164 : memref<128x32xf32, #tpu.memory_space<vmem>>) offsets(%dma_start3A_166 : memref<128xi32, #tpu.memory_space<vmem>>) semaphore(%arg8 : memref<!tpu.dma_semaphore, #tpu.memory_space<semaphore_mem>>)
    %dma_wait3A = arith.constant 0 : i32
    %dma_wait3A_170 = arith.constant 0 : i32
    %dma_wait3A_171 = tpu.memref_slice %arg6[%dma_wait3A, %dma_wait3A_170] : memref<2560x32xf32, #tpu.memory_space<vmem>> -> memref<1280x32xf32, #tpu.memory_space<vmem>>
    %dma_wait3A_172 = arith.constant 0 : i32
    %dma_wait3A_173 = arith.constant 0 : i32
    %dma_wait3A_174 = tpu.memref_slice %arg4[%dma_wait3A_172, %dma_wait3A_173] : memref<819200x32xf32, #tpu.memory_space<hbm>> -> memref<1280x32xf32, #tpu.memory_space<hbm>>
    %dma_wait3A_175 = arith.constant 0 : i32
    %dma_wait3A_176 = arith.constant 0 : i32
    %dma_wait3A_177 = tpu.memref_slice %arg6[%dma_wait3A_175, %dma_wait3A_176] : memref<2560x32xf32, #tpu.memory_space<vmem>> -> memref<1280x32xf32, #tpu.memory_space<vmem>>
    %dma_wait3A_178 = arith.constant 0 : i32
    %dma_wait3A_179 = arith.constant 0 : i32
    %dma_wait3A_180 = tpu.memref_slice %arg4[%dma_wait3A_178, %dma_wait3A_179] : memref<819200x32xf32, #tpu.memory_space<hbm>> -> memref<1280x32xf32, #tpu.memory_space<hbm>>
    tpu.wait_dma2 semaphore(%arg7 : memref<!tpu.dma_semaphore, #tpu.memory_space<semaphore_mem>>) src(%dma_wait3A_180 : memref<1280x32xf32, #tpu.memory_space<hbm>>) dst(%dma_wait3A_177 : memref<1280x32xf32, #tpu.memory_space<vmem>>)
    %scan3A_181 = arith.constant 0 : i32
    %scan3A_182 = arith.constant 0 : i32
    %scan3A_183 = arith.constant 160 : i32
    %scan3A_184 = arith.addi %scan3A_182, %scan3A_183 : i32
    %scan3A_185 = arith.constant 1 : i32
    %scan3A_186 = scf.for %scan3A_211 = %scan3A_182 to %scan3A_184 step %scan3A_185 iter_args(%scan3A_212 = %scan3A_181) -> (i32)  : i32 {
      %mul3A_213 = arith.constant 8 : i32
      %mul3A_214 = arith.muli %scan3A_211, %mul3A_213 : i32
      %add3A_215 = arith.constant 0 : i32
      %add3A_216 = arith.addi %add3A_215, %mul3A_214 : i32
      %add3A_217 = arith.constant 0 : i32
      %add3A_218 = arith.addi %add3A_216, %add3A_217 : i32
      %get3A = arith.index_cast %add3A_218 : i32 to index
      %get3A_219 = arith.constant 0 : index
      %get3A_220 = tpu.vector_load %arg6[%get3A, %get3A_219] {strides = array<i32>} : memref<2560x32xf32, #tpu.memory_space<vmem>>, vector<1x16xf32>,
      %get3A_221 = vector.shape_cast %get3A_220 : vector<1x16xf32> to vector<16xf32>
      %mul3A_222 = arith.constant 5.65685415 : f32
      %mul3A_223 = vector.broadcast %mul3A_222 : f32 to vector<16xf32>
      %mul3A_224 = arith.mulf %get3A_221, %mul3A_223 : vector<16xf32>
      %add3A_225 = arith.constant 0 : i32
      %add3A_226 = arith.addi %add3A_216, %add3A_225 : i32
      %swap3A = arith.index_cast %add3A_226 : i32 to index
      %swap3A_227 = arith.constant 0 : index
      %swap3A_228 = tpu.vector_load %arg6[%swap3A, %swap3A_227] {strides = array<i32>} : memref<2560x32xf32, #tpu.memory_space<vmem>>, vector<1x16xf32>,
      %swap3A_229 = vector.shape_cast %swap3A_228 : vector<1x16xf32> to vector<16xf32>
      %swap3A_230 = vector.shape_cast %mul3A_224 : vector<16xf32> to vector<1x16xf32>
      tpu.vector_store %arg6[%swap3A, %swap3A_227], %swap3A_230 {strides = array<i32>} : memref<2560x32xf32, #tpu.memory_space<vmem>>, vector<1x16xf32>,
      %add3A_231 = arith.constant 0 : i32
      %add3A_232 = arith.addi %add3A_216, %add3A_231 : i32
      %get3A_233 = arith.index_cast %add3A_232 : i32 to index
      %get3A_234 = arith.constant 16 : index
      %get3A_235 = tpu.vector_load %arg6[%get3A_233, %get3A_234] {strides = array<i32>} : memref<2560x32xf32, #tpu.memory_space<vmem>>, vector<1x16xf32>,
      %get3A_236 = vector.shape_cast %get3A_235 : vector<1x16xf32> to vector<16xf32>
      %mul3A_237 = arith.constant 5.65685415 : f32
      %mul3A_238 = vector.broadcast %mul3A_237 : f32 to vector<16xf32>
      %mul3A_239 = arith.mulf %get3A_236, %mul3A_238 : vector<16xf32>
      %add3A_240 = arith.constant 0 : i32
      %add3A_241 = arith.addi %add3A_216, %add3A_240 : i32
      %swap3A_242 = arith.index_cast %add3A_241 : i32 to index
      %swap3A_243 = arith.constant 16 : index
      %swap3A_244 = tpu.vector_load %arg6[%swap3A_242, %swap3A_243] {strides = array<i32>} : memref<2560x32xf32, #tpu.memory_space<vmem>>, vector<1x16xf32>,
      %swap3A_245 = vector.shape_cast %swap3A_244 : vector<1x16xf32> to vector<16xf32>
      %swap3A_246 = vector.shape_cast %mul3A_239 : vector<16xf32> to vector<1x16xf32>
      tpu.vector_store %arg6[%swap3A_242, %swap3A_243], %swap3A_246 {strides = array<i32>} : memref<2560x32xf32, #tpu.memory_space<vmem>>, vector<1x16xf32>,
      %add3A_247 = arith.constant 1 : i32
      %add3A_248 = arith.addi %add3A_216, %add3A_247 : i32
      %get3A_249 = arith.index_cast %add3A_248 : i32 to index
      %get3A_250 = arith.constant 0 : index
      %get3A_251 = tpu.vector_load %arg6[%get3A_249, %get3A_250] {strides = array<i32>} : memref<2560x32xf32, #tpu.memory_space<vmem>>, vector<1x16xf32>,
      %get3A_252 = vector.shape_cast %get3A_251 : vector<1x16xf32> to vector<16xf32>
      %mul3A_253 = arith.constant 5.65685415 : f32
      %mul3A_254 = vector.broadcast %mul3A_253 : f32 to vector<16xf32>
      %mul3A_255 = arith.mulf %get3A_252, %mul3A_254 : vector<16xf32>
      %add3A_256 = arith.constant 1 : i32
      %add3A_257 = arith.addi %add3A_216, %add3A_256 : i32
      %swap3A_258 = arith.index_cast %add3A_257 : i32 to index
      %swap3A_259 = arith.constant 0 : index
      %swap3A_260 = tpu.vector_load %arg6[%swap3A_258, %swap3A_259] {strides = array<i32>} : memref<2560x32xf32, #tpu.memory_space<vmem>>, vector<1x16xf32>,
      %swap3A_261 = vector.shape_cast %swap3A_260 : vector<1x16xf32> to vector<16xf32>
      %swap3A_262 = vector.shape_cast %mul3A_255 : vector<16xf32> to vector<1x16xf32>
      tpu.vector_store %arg6[%swap3A_258, %swap3A_259], %swap3A_262 {strides = array<i32>} : memref<2560x32xf32, #tpu.memory_space<vmem>>, vector<1x16xf32>,
      %add3A_263 = arith.constant 1 : i32
      %add3A_264 = arith.addi %add3A_216, %add3A_263 : i32
      %get3A_265 = arith.index_cast %add3A_264 : i32 to index
      %get3A_266 = arith.constant 16 : index
      %get3A_267 = tpu.vector_load %arg6[%get3A_265, %get3A_266] {strides = array<i32>} : memref<2560x32xf32, #tpu.memory_space<vmem>>, vector<1x16xf32>,
      %get3A_268 = vector.shape_cast %get3A_267 : vector<1x16xf32> to vector<16xf32>
      %mul3A_269 = arith.constant 5.65685415 : f32
      %mul3A_270 = vector.broadcast %mul3A_269 : f32 to vector<16xf32>
      %mul3A_271 = arith.mulf %get3A_268, %mul3A_270 : vector<16xf32>
      %add3A_272 = arith.constant 1 : i32
      %add3A_273 = arith.addi %add3A_216, %add3A_272 : i32
      %swap3A_274 = arith.index_cast %add3A_273 : i32 to index
      %swap3A_275 = arith.constant 16 : index
      %swap3A_276 = tpu.vector_load %arg6[%swap3A_274, %swap3A_275] {strides = array<i32>} : memref<2560x32xf32, #tpu.memory_space<vmem>>, vector<1x16xf32>,
      %swap3A_277 = vector.shape_cast %swap3A_276 : vector<1x16xf32> to vector<16xf32>
      %swap3A_278 = vector.shape_cast %mul3A_271 : vector<16xf32> to vector<1x16xf32>
      tpu.vector_store %arg6[%swap3A_274, %swap3A_275], %swap3A_278 {strides = array<i32>} : memref<2560x32xf32, #tpu.memory_space<vmem>>, vector<1x16xf32>,
      %add3A_279 = arith.constant 2 : i32
      %add3A_280 = arith.addi %add3A_216, %add3A_279 : i32
      %get3A_281 = arith.index_cast %add3A_280 : i32 to index
      %get3A_282 = arith.constant 0 : index
      %get3A_283 = tpu.vector_load %arg6[%get3A_281, %get3A_282] {strides = array<i32>} : memref<2560x32xf32, #tpu.memory_space<vmem>>, vector<1x16xf32>,
      %get3A_284 = vector.shape_cast %get3A_283 : vector<1x16xf32> to vector<16xf32>
      %mul3A_285 = arith.constant 5.65685415 : f32
      %mul3A_286 = vector.broadcast %mul3A_285 : f32 to vector<16xf32>
      %mul3A_287 = arith.mulf %get3A_284, %mul3A_286 : vector<16xf32>
      %add3A_288 = arith.constant 2 : i32
      %add3A_289 = arith.addi %add3A_216, %add3A_288 : i32
      %swap3A_290 = arith.index_cast %add3A_289 : i32 to index
      %swap3A_291 = arith.constant 0 : index
      %swap3A_292 = tpu.vector_load %arg6[%swap3A_290, %swap3A_291] {strides = array<i32>} : memref<2560x32xf32, #tpu.memory_space<vmem>>, vector<1x16xf32>,
      %swap3A_293 = vector.shape_cast %swap3A_292 : vector<1x16xf32> to vector<16xf32>
      %swap3A_294 = vector.shape_cast %mul3A_287 : vector<16xf32> to vector<1x16xf32>
      tpu.vector_store %arg6[%swap3A_290, %swap3A_291], %swap3A_294 {strides = array<i32>} : memref<2560x32xf32, #tpu.memory_space<vmem>>, vector<1x16xf32>,
      %add3A_295 = arith.constant 2 : i32
      %add3A_296 = arith.addi %add3A_216, %add3A_295 : i32
      %get3A_297 = arith.index_cast %add3A_296 : i32 to index
      %get3A_298 = arith.constant 16 : index
      %get3A_299 = tpu.vector_load %arg6[%get3A_297, %get3A_298] {strides = array<i32>} : memref<2560x32xf32, #tpu.memory_space<vmem>>, vector<1x16xf32>,
      %get3A_300 = vector.shape_cast %get3A_299 : vector<1x16xf32> to vector<16xf32>
      %mul3A_301 = arith.constant 5.65685415 : f32
      %mul3A_302 = vector.broadcast %mul3A_301 : f32 to vector<16xf32>
      %mul3A_303 = arith.mulf %get3A_300, %mul3A_302 : vector<16xf32>
      %add3A_304 = arith.constant 2 : i32
      %add3A_305 = arith.addi %add3A_216, %add3A_304 : i32
      %swap3A_306 = arith.index_cast %add3A_305 : i32 to index
      %swap3A_307 = arith.constant 16 : index
      %swap3A_308 = tpu.vector_load %arg6[%swap3A_306, %swap3A_307] {strides = array<i32>} : memref<2560x32xf32, #tpu.memory_space<vmem>>, vector<1x16xf32>,
      %swap3A_309 = vector.shape_cast %swap3A_308 : vector<1x16xf32> to vector<16xf32>
      %swap3A_310 = vector.shape_cast %mul3A_303 : vector<16xf32> to vector<1x16xf32>
      tpu.vector_store %arg6[%swap3A_306, %swap3A_307], %swap3A_310 {strides = array<i32>} : memref<2560x32xf32, #tpu.memory_space<vmem>>, vector<1x16xf32>,
      %add3A_311 = arith.constant 3 : i32
      %add3A_312 = arith.addi %add3A_216, %add3A_311 : i32
      %get3A_313 = arith.index_cast %add3A_312 : i32 to index
      %get3A_314 = arith.constant 0 : index
      %get3A_315 = tpu.vector_load %arg6[%get3A_313, %get3A_314] {strides = array<i32>} : memref<2560x32xf32, #tpu.memory_space<vmem>>, vector<1x16xf32>,
      %get3A_316 = vector.shape_cast %get3A_315 : vector<1x16xf32> to vector<16xf32>
      %mul3A_317 = arith.constant 5.65685415 : f32
      %mul3A_318 = vector.broadcast %mul3A_317 : f32 to vector<16xf32>
      %mul3A_319 = arith.mulf %get3A_316, %mul3A_318 : vector<16xf32>
      %add3A_320 = arith.constant 3 : i32
      %add3A_321 = arith.addi %add3A_216, %add3A_320 : i32
      %swap3A_322 = arith.index_cast %add3A_321 : i32 to index
      %swap3A_323 = arith.constant 0 : index
      %swap3A_324 = tpu.vector_load %arg6[%swap3A_322, %swap3A_323] {strides = array<i32>} : memref<2560x32xf32, #tpu.memory_space<vmem>>, vector<1x16xf32>,
      %swap3A_325 = vector.shape_cast %swap3A_324 : vector<1x16xf32> to vector<16xf32>
      %swap3A_326 = vector.shape_cast %mul3A_319 : vector<16xf32> to vector<1x16xf32>
      tpu.vector_store %arg6[%swap3A_322, %swap3A_323], %swap3A_326 {strides = array<i32>} : memref<2560x32xf32, #tpu.memory_space<vmem>>, vector<1x16xf32>,
      %add3A_327 = arith.constant 3 : i32
      %add3A_328 = arith.addi %add3A_216, %add3A_327 : i32
      %get3A_329 = arith.index_cast %add3A_328 : i32 to index
      %get3A_330 = arith.constant 16 : index
      %get3A_331 = tpu.vector_load %arg6[%get3A_329, %get3A_330] {strides = array<i32>} : memref<2560x32xf32, #tpu.memory_space<vmem>>, vector<1x16xf32>,
      %get3A_332 = vector.shape_cast %get3A_331 : vector<1x16xf32> to vector<16xf32>
      %mul3A_333 = arith.constant 5.65685415 : f32
      %mul3A_334 = vector.broadcast %mul3A_333 : f32 to vector<16xf32>
      %mul3A_335 = arith.mulf %get3A_332, %mul3A_334 : vector<16xf32>
      %add3A_336 = arith.constant 3 : i32
      %add3A_337 = arith.addi %add3A_216, %add3A_336 : i32
      %swap3A_338 = arith.index_cast %add3A_337 : i32 to index
      %swap3A_339 = arith.constant 16 : index
      %swap3A_340 = tpu.vector_load %arg6[%swap3A_338, %swap3A_339] {strides = array<i32>} : memref<2560x32xf32, #tpu.memory_space<vmem>>, vector<1x16xf32>,
      %swap3A_341 = vector.shape_cast %swap3A_340 : vector<1x16xf32> to vector<16xf32>
      %swap3A_342 = vector.shape_cast %mul3A_335 : vector<16xf32> to vector<1x16xf32>
      tpu.vector_store %arg6[%swap3A_338, %swap3A_339], %swap3A_342 {strides = array<i32>} : memref<2560x32xf32, #tpu.memory_space<vmem>>, vector<1x16xf32>,
      %add3A_343 = arith.constant 4 : i32
      %add3A_344 = arith.addi %add3A_216, %add3A_343 : i32
      %get3A_345 = arith.index_cast %add3A_344 : i32 to index
      %get3A_346 = arith.constant 0 : index
      %get3A_347 = tpu.vector_load %arg6[%get3A_345, %get3A_346] {strides = array<i32>} : memref<2560x32xf32, #tpu.memory_space<vmem>>, vector<1x16xf32>,
      %get3A_348 = vector.shape_cast %get3A_347 : vector<1x16xf32> to vector<16xf32>
      %mul3A_349 = arith.constant 5.65685415 : f32
      %mul3A_350 = vector.broadcast %mul3A_349 : f32 to vector<16xf32>
      %mul3A_351 = arith.mulf %get3A_348, %mul3A_350 : vector<16xf32>
      %add3A_352 = arith.constant 4 : i32
      %add3A_353 = arith.addi %add3A_216, %add3A_352 : i32
      %swap3A_354 = arith.index_cast %add3A_353 : i32 to index
      %swap3A_355 = arith.constant 0 : index
      %swap3A_356 = tpu.vector_load %arg6[%swap3A_354, %swap3A_355] {strides = array<i32>} : memref<2560x32xf32, #tpu.memory_space<vmem>>, vector<1x16xf32>,
      %swap3A_357 = vector.shape_cast %swap3A_356 : vector<1x16xf32> to vector<16xf32>
      %swap3A_358 = vector.shape_cast %mul3A_351 : vector<16xf32> to vector<1x16xf32>
      tpu.vector_store %arg6[%swap3A_354, %swap3A_355], %swap3A_358 {strides = array<i32>} : memref<2560x32xf32, #tpu.memory_space<vmem>>, vector<1x16xf32>,
      %add3A_359 = arith.constant 4 : i32
      %add3A_360 = arith.addi %add3A_216, %add3A_359 : i32
      %get3A_361 = arith.index_cast %add3A_360 : i32 to index
      %get3A_362 = arith.constant 16 : index
      %get3A_363 = tpu.vector_load %arg6[%get3A_361, %get3A_362] {strides = array<i32>} : memref<2560x32xf32, #tpu.memory_space<vmem>>, vector<1x16xf32>,
      %get3A_364 = vector.shape_cast %get3A_363 : vector<1x16xf32> to vector<16xf32>
      %mul3A_365 = arith.constant 5.65685415 : f32
      %mul3A_366 = vector.broadcast %mul3A_365 : f32 to vector<16xf32>
      %mul3A_367 = arith.mulf %get3A_364, %mul3A_366 : vector<16xf32>
      %add3A_368 = arith.constant 4 : i32
      %add3A_369 = arith.addi %add3A_216, %add3A_368 : i32
      %swap3A_370 = arith.index_cast %add3A_369 : i32 to index
      %swap3A_371 = arith.constant 16 : index
      %swap3A_372 = tpu.vector_load %arg6[%swap3A_370, %swap3A_371] {strides = array<i32>} : memref<2560x32xf32, #tpu.memory_space<vmem>>, vector<1x16xf32>,
      %swap3A_373 = vector.shape_cast %swap3A_372 : vector<1x16xf32> to vector<16xf32>
      %swap3A_374 = vector.shape_cast %mul3A_367 : vector<16xf32> to vector<1x16xf32>
      tpu.vector_store %arg6[%swap3A_370, %swap3A_371], %swap3A_374 {strides = array<i32>} : memref<2560x32xf32, #tpu.memory_space<vmem>>, vector<1x16xf32>,
      %add3A_375 = arith.constant 5 : i32
      %add3A_376 = arith.addi %add3A_216, %add3A_375 : i32
      %get3A_377 = arith.index_cast %add3A_376 : i32 to index
      %get3A_378 = arith.constant 0 : index
      %get3A_379 = tpu.vector_load %arg6[%get3A_377, %get3A_378] {strides = array<i32>} : memref<2560x32xf32, #tpu.memory_space<vmem>>, vector<1x16xf32>,
      %get3A_380 = vector.shape_cast %get3A_379 : vector<1x16xf32> to vector<16xf32>
      %mul3A_381 = arith.constant 5.65685415 : f32
      %mul3A_382 = vector.broadcast %mul3A_381 : f32 to vector<16xf32>
      %mul3A_383 = arith.mulf %get3A_380, %mul3A_382 : vector<16xf32>
      %add3A_384 = arith.constant 5 : i32
      %add3A_385 = arith.addi %add3A_216, %add3A_384 : i32
      %swap3A_386 = arith.index_cast %add3A_385 : i32 to index
      %swap3A_387 = arith.constant 0 : index
      %swap3A_388 = tpu.vector_load %arg6[%swap3A_386, %swap3A_387] {strides = array<i32>} : memref<2560x32xf32, #tpu.memory_space<vmem>>, vector<1x16xf32>,
      %swap3A_389 = vector.shape_cast %swap3A_388 : vector<1x16xf32> to vector<16xf32>
      %swap3A_390 = vector.shape_cast %mul3A_383 : vector<16xf32> to vector<1x16xf32>
      tpu.vector_store %arg6[%swap3A_386, %swap3A_387], %swap3A_390 {strides = array<i32>} : memref<2560x32xf32, #tpu.memory_space<vmem>>, vector<1x16xf32>,
      %add3A_391 = arith.constant 5 : i32
      %add3A_392 = arith.addi %add3A_216, %add3A_391 : i32
      %get3A_393 = arith.index_cast %add3A_392 : i32 to index
      %get3A_394 = arith.constant 16 : index
      %get3A_395 = tpu.vector_load %arg6[%get3A_393, %get3A_394] {strides = array<i32>} : memref<2560x32xf32, #tpu.memory_space<vmem>>, vector<1x16xf32>,
      %get3A_396 = vector.shape_cast %get3A_395 : vector<1x16xf32> to vector<16xf32>
      %mul3A_397 = arith.constant 5.65685415 : f32
      %mul3A_398 = vector.broadcast %mul3A_397 : f32 to vector<16xf32>
      %mul3A_399 = arith.mulf %get3A_396, %mul3A_398 : vector<16xf32>
      %add3A_400 = arith.constant 5 : i32
      %add3A_401 = arith.addi %add3A_216, %add3A_400 : i32
      %swap3A_402 = arith.index_cast %add3A_401 : i32 to index
      %swap3A_403 = arith.constant 16 : index
      %swap3A_404 = tpu.vector_load %arg6[%swap3A_402, %swap3A_403] {strides = array<i32>} : memref<2560x32xf32, #tpu.memory_space<vmem>>, vector<1x16xf32>,
      %swap3A_405 = vector.shape_cast %swap3A_404 : vector<1x16xf32> to vector<16xf32>
      %swap3A_406 = vector.shape_cast %mul3A_399 : vector<16xf32> to vector<1x16xf32>
      tpu.vector_store %arg6[%swap3A_402, %swap3A_403], %swap3A_406 {strides = array<i32>} : memref<2560x32xf32, #tpu.memory_space<vmem>>, vector<1x16xf32>,
      %add3A_407 = arith.constant 6 : i32
      %add3A_408 = arith.addi %add3A_216, %add3A_407 : i32
      %get3A_409 = arith.index_cast %add3A_408 : i32 to index
      %get3A_410 = arith.constant 0 : index
      %get3A_411 = tpu.vector_load %arg6[%get3A_409, %get3A_410] {strides = array<i32>} : memref<2560x32xf32, #tpu.memory_space<vmem>>, vector<1x16xf32>,
      %get3A_412 = vector.shape_cast %get3A_411 : vector<1x16xf32> to vector<16xf32>
      %mul3A_413 = arith.constant 5.65685415 : f32
      %mul3A_414 = vector.broadcast %mul3A_413 : f32 to vector<16xf32>
      %mul3A_415 = arith.mulf %get3A_412, %mul3A_414 : vector<16xf32>
      %add3A_416 = arith.constant 6 : i32
      %add3A_417 = arith.addi %add3A_216, %add3A_416 : i32
      %swap3A_418 = arith.index_cast %add3A_417 : i32 to index
      %swap3A_419 = arith.constant 0 : index
      %swap3A_420 = tpu.vector_load %arg6[%swap3A_418, %swap3A_419] {strides = array<i32>} : memref<2560x32xf32, #tpu.memory_space<vmem>>, vector<1x16xf32>,
      %swap3A_421 = vector.shape_cast %swap3A_420 : vector<1x16xf32> to vector<16xf32>
      %swap3A_422 = vector.shape_cast %mul3A_415 : vector<16xf32> to vector<1x16xf32>
      tpu.vector_store %arg6[%swap3A_418, %swap3A_419], %swap3A_422 {strides = array<i32>} : memref<2560x32xf32, #tpu.memory_space<vmem>>, vector<1x16xf32>,
      %add3A_423 = arith.constant 6 : i32
      %add3A_424 = arith.addi %add3A_216, %add3A_423 : i32
      %get3A_425 = arith.index_cast %add3A_424 : i32 to index
      %get3A_426 = arith.constant 16 : index
      %get3A_427 = tpu.vector_load %arg6[%get3A_425, %get3A_426] {strides = array<i32>} : memref<2560x32xf32, #tpu.memory_space<vmem>>, vector<1x16xf32>,
      %get3A_428 = vector.shape_cast %get3A_427 : vector<1x16xf32> to vector<16xf32>
      %mul3A_429 = arith.constant 5.65685415 : f32
      %mul3A_430 = vector.broadcast %mul3A_429 : f32 to vector<16xf32>
      %mul3A_431 = arith.mulf %get3A_428, %mul3A_430 : vector<16xf32>
      %add3A_432 = arith.constant 6 : i32
      %add3A_433 = arith.addi %add3A_216, %add3A_432 : i32
      %swap3A_434 = arith.index_cast %add3A_433 : i32 to index
      %swap3A_435 = arith.constant 16 : index
      %swap3A_436 = tpu.vector_load %arg6[%swap3A_434, %swap3A_435] {strides = array<i32>} : memref<2560x32xf32, #tpu.memory_space<vmem>>, vector<1x16xf32>,
      %swap3A_437 = vector.shape_cast %swap3A_436 : vector<1x16xf32> to vector<16xf32>
      %swap3A_438 = vector.shape_cast %mul3A_431 : vector<16xf32> to vector<1x16xf32>
      tpu.vector_store %arg6[%swap3A_434, %swap3A_435], %swap3A_438 {strides = array<i32>} : memref<2560x32xf32, #tpu.memory_space<vmem>>, vector<1x16xf32>,
      %add3A_439 = arith.constant 7 : i32
      %add3A_440 = arith.addi %add3A_216, %add3A_439 : i32
      %get3A_441 = arith.index_cast %add3A_440 : i32 to index
      %get3A_442 = arith.constant 0 : index
      %get3A_443 = tpu.vector_load %arg6[%get3A_441, %get3A_442] {strides = array<i32>} : memref<2560x32xf32, #tpu.memory_space<vmem>>, vector<1x16xf32>,
      %get3A_444 = vector.shape_cast %get3A_443 : vector<1x16xf32> to vector<16xf32>
      %mul3A_445 = arith.constant 5.65685415 : f32
      %mul3A_446 = vector.broadcast %mul3A_445 : f32 to vector<16xf32>
      %mul3A_447 = arith.mulf %get3A_444, %mul3A_446 : vector<16xf32>
      %add3A_448 = arith.constant 7 : i32
      %add3A_449 = arith.addi %add3A_216, %add3A_448 : i32
      %swap3A_450 = arith.index_cast %add3A_449 : i32 to index
      %swap3A_451 = arith.constant 0 : index
      %swap3A_452 = tpu.vector_load %arg6[%swap3A_450, %swap3A_451] {strides = array<i32>} : memref<2560x32xf32, #tpu.memory_space<vmem>>, vector<1x16xf32>,
      %swap3A_453 = vector.shape_cast %swap3A_452 : vector<1x16xf32> to vector<16xf32>
      %swap3A_454 = vector.shape_cast %mul3A_447 : vector<16xf32> to vector<1x16xf32>
      tpu.vector_store %arg6[%swap3A_450, %swap3A_451], %swap3A_454 {strides = array<i32>} : memref<2560x32xf32, #tpu.memory_space<vmem>>, vector<1x16xf32>,
      %add3A_455 = arith.constant 7 : i32
      %add3A_456 = arith.addi %add3A_216, %add3A_455 : i32
      %get3A_457 = arith.index_cast %add3A_456 : i32 to index
      %get3A_458 = arith.constant 16 : index
      %get3A_459 = tpu.vector_load %arg6[%get3A_457, %get3A_458] {strides = array<i32>} : memref<2560x32xf32, #tpu.memory_space<vmem>>, vector<1x16xf32>,
      %get3A_460 = vector.shape_cast %get3A_459 : vector<1x16xf32> to vector<16xf32>
      %mul3A_461 = arith.constant 5.65685415 : f32
      %mul3A_462 = vector.broadcast %mul3A_461 : f32 to vector<16xf32>
      %mul3A_463 = arith.mulf %get3A_460, %mul3A_462 : vector<16xf32>
      %add3A_464 = arith.constant 7 : i32
      %add3A_465 = arith.addi %add3A_216, %add3A_464 : i32
      %swap3A_466 = arith.index_cast %add3A_465 : i32 to index
      %swap3A_467 = arith.constant 16 : index
      %swap3A_468 = tpu.vector_load %arg6[%swap3A_466, %swap3A_467] {strides = array<i32>} : memref<2560x32xf32, #tpu.memory_space<vmem>>, vector<1x16xf32>,
      %swap3A_469 = vector.shape_cast %swap3A_468 : vector<1x16xf32> to vector<16xf32>
      %swap3A_470 = vector.shape_cast %mul3A_463 : vector<16xf32> to vector<1x16xf32>
      tpu.vector_store %arg6[%swap3A_466, %swap3A_467], %swap3A_470 {strides = array<i32>} : memref<2560x32xf32, #tpu.memory_space<vmem>>, vector<1x16xf32>,
      %scan3A_471 = arith.constant 0 : i32
      scf.yield %scan3A_471 : i32
    }
    %scan3A_187 = arith.constant 160 : i32
    %add3A_188 = arith.constant 23040 : i32
    %add3A_189 = arith.addi %mul3A_4, %add3A_188 : i32
    "tpu.region"() ({
      %run_scoped3A = tpu.sem_alloc : memref<!tpu.dma_semaphore, #tpu.memory_space<semaphore_mem>>
      %dma_start3A_211 = arith.constant 0 : i32
      %dma_start3A_212 = arith.constant 0 : i32
      %dma_start3A_213 = tpu.memref_slice %arg6[%dma_start3A_211, %dma_start3A_212] : memref<2560x32xf32, #tpu.memory_space<vmem>> -> memref<1280x32xf32, #tpu.memory_space<vmem>>
      %dma_start3A_214 = arith.constant 0 : i32
      %dma_start3A_215 = tpu.memref_slice %arg4[%add3A_189, %dma_start3A_214] : memref<819200x32xf32, #tpu.memory_space<hbm>> -> memref<1280x32xf32, #tpu.memory_space<hbm>>
      %dma_start3A_216 = arith.constant 0 : i32
      %dma_start3A_217 = tpu.memref_slice %arg4[%add3A_189, %dma_start3A_216] : memref<819200x32xf32, #tpu.memory_space<hbm>> -> memref<1280x32xf32, #tpu.memory_space<hbm>>
      %dma_start3A_218 = arith.constant 0 : i32
      %dma_start3A_219 = arith.constant 0 : i32
      %dma_start3A_220 = tpu.memref_slice %arg6[%dma_start3A_218, %dma_start3A_219] : memref<2560x32xf32, #tpu.memory_space<vmem>> -> memref<1280x32xf32, #tpu.memory_space<vmem>>
      tpu.enqueue_dma source(%dma_start3A_220 : memref<1280x32xf32, #tpu.memory_space<vmem>>) target(%dma_start3A_217 : memref<1280x32xf32, #tpu.memory_space<hbm>>) target_semaphore(%run_scoped3A : memref<!tpu.dma_semaphore, #tpu.memory_space<semaphore_mem>>)
      %dma_wait3A_221 = arith.constant 0 : i32
      %dma_wait3A_222 = arith.constant 0 : i32
      %dma_wait3A_223 = tpu.memref_slice %arg6[%dma_wait3A_221, %dma_wait3A_222] : memref<2560x32xf32, #tpu.memory_space<vmem>> -> memref<1280x32xf32, #tpu.memory_space<vmem>>
      %dma_wait3A_224 = arith.constant 0 : i32
      %dma_wait3A_225 = tpu.memref_slice %arg4[%add3A_189, %dma_wait3A_224] : memref<819200x32xf32, #tpu.memory_space<hbm>> -> memref<1280x32xf32, #tpu.memory_space<hbm>>
      %dma_wait3A_226 = arith.constant 0 : i32
      %dma_wait3A_227 = tpu.memref_slice %arg4[%add3A_189, %dma_wait3A_226] : memref<819200x32xf32, #tpu.memory_space<hbm>> -> memref<1280x32xf32, #tpu.memory_space<hbm>>
      %dma_wait3A_228 = arith.constant 0 : i32
      %dma_wait3A_229 = arith.constant 0 : i32
      %dma_wait3A_230 = tpu.memref_slice %arg6[%dma_wait3A_228, %dma_wait3A_229] : memref<2560x32xf32, #tpu.memory_space<vmem>> -> memref<1280x32xf32, #tpu.memory_space<vmem>>
      tpu.wait_dma2 semaphore(%run_scoped3A : memref<!tpu.dma_semaphore, #tpu.memory_space<semaphore_mem>>) src(%dma_wait3A_230 : memref<1280x32xf32, #tpu.memory_space<vmem>>) dst(%dma_wait3A_227 : memref<1280x32xf32, #tpu.memory_space<hbm>>)
      tpu.yield
    }) : () -> ()
    %dma_wait3A_190 = arith.constant 1280 : i32
    %dma_wait3A_191 = arith.constant 0 : i32
    %dma_wait3A_192 = tpu.memref_slice %arg6[%dma_wait3A_190, %dma_wait3A_191] : memref<2560x32xf32, #tpu.memory_space<vmem>> -> memref<1280x32xf32, #tpu.memory_space<vmem>>
    %dma_wait3A_193 = arith.constant 0 : i32
    %dma_wait3A_194 = arith.constant 0 : i32
    %dma_wait3A_195 = tpu.memref_slice %arg4[%dma_wait3A_193, %dma_wait3A_194] : memref<819200x32xf32, #tpu.memory_space<hbm>> -> memref<1280x32xf32, #tpu.memory_space<hbm>>
    %dma_wait3A_196 = arith.constant 1280 : i32
    %dma_wait3A_197 = arith.constant 0 : i32
    %dma_wait3A_198 = tpu.memref_slice %arg6[%dma_wait3A_196, %dma_wait3A_197] : memref<2560x32xf32, #tpu.memory_space<vmem>> -> memref<1280x32xf32, #tpu.memory_space<vmem>>
    %dma_wait3A_199 = arith.constant 0 : i32
    %dma_wait3A_200 = arith.constant 0 : i32
    %dma_wait3A_201 = tpu.memref_slice %arg4[%dma_wait3A_199, %dma_wait3A_200] : memref<819200x32xf32, #tpu.memory_space<hbm>> -> memref<1280x32xf32, #tpu.memory_space<hbm>>
    tpu.wait_dma2 semaphore(%arg8 : memref<!tpu.dma_semaphore, #tpu.memory_space<semaphore_mem>>) src(%dma_wait3A_201 : memref<1280x32xf32, #tpu.memory_space<hbm>>) dst(%dma_wait3A_198 : memref<1280x32xf32, #tpu.memory_space<vmem>>)
    %scan3A_202 = arith.constant 0 : i32
    %scan3A_203 = arith.constant 0 : i32
    %scan3A_204 = arith.constant 160 : i32
    %scan3A_205 = arith.addi %scan3A_203, %scan3A_204 : i32
    %scan3A_206 = arith.constant 1 : i32
    %scan3A_207 = scf.for %scan3A_211 = %scan3A_203 to %scan3A_205 step %scan3A_206 iter_args(%scan3A_212 = %scan3A_202) -> (i32)  : i32 {
      %mul3A_213 = arith.constant 8 : i32
      %mul3A_214 = arith.muli %scan3A_211, %mul3A_213 : i32
      %add3A_215 = arith.constant 1280 : i32
      %add3A_216 = arith.addi %add3A_215, %mul3A_214 : i32
      %add3A_217 = arith.constant 0 : i32
      %add3A_218 = arith.addi %add3A_216, %add3A_217 : i32
      %get3A = arith.index_cast %add3A_218 : i32 to index
      %get3A_219 = arith.constant 0 : index
      %get3A_220 = tpu.vector_load %arg6[%get3A, %get3A_219] {strides = array<i32>} : memref<2560x32xf32, #tpu.memory_space<vmem>>, vector<1x16xf32>,
      %get3A_221 = vector.shape_cast %get3A_220 : vector<1x16xf32> to vector<16xf32>
      %mul3A_222 = arith.constant 5.65685415 : f32
      %mul3A_223 = vector.broadcast %mul3A_222 : f32 to vector<16xf32>
      %mul3A_224 = arith.mulf %get3A_221, %mul3A_223 : vector<16xf32>
      %add3A_225 = arith.constant 0 : i32
      %add3A_226 = arith.addi %add3A_216, %add3A_225 : i32
      %swap3A = arith.index_cast %add3A_226 : i32 to index
      %swap3A_227 = arith.constant 0 : index
      %swap3A_228 = tpu.vector_load %arg6[%swap3A, %swap3A_227] {strides = array<i32>} : memref<2560x32xf32, #tpu.memory_space<vmem>>, vector<1x16xf32>,
      %swap3A_229 = vector.shape_cast %swap3A_228 : vector<1x16xf32> to vector<16xf32>
      %swap3A_230 = vector.shape_cast %mul3A_224 : vector<16xf32> to vector<1x16xf32>
      tpu.vector_store %arg6[%swap3A, %swap3A_227], %swap3A_230 {strides = array<i32>} : memref<2560x32xf32, #tpu.memory_space<vmem>>, vector<1x16xf32>,
      %add3A_231 = arith.constant 0 : i32
      %add3A_232 = arith.addi %add3A_216, %add3A_231 : i32
      %get3A_233 = arith.index_cast %add3A_232 : i32 to index
      %get3A_234 = arith.constant 16 : index
      %get3A_235 = tpu.vector_load %arg6[%get3A_233, %get3A_234] {strides = array<i32>} : memref<2560x32xf32, #tpu.memory_space<vmem>>, vector<1x16xf32>,
      %get3A_236 = vector.shape_cast %get3A_235 : vector<1x16xf32> to vector<16xf32>
      %mul3A_237 = arith.constant 5.65685415 : f32
      %mul3A_238 = vector.broadcast %mul3A_237 : f32 to vector<16xf32>
      %mul3A_239 = arith.mulf %get3A_236, %mul3A_238 : vector<16xf32>
      %add3A_240 = arith.constant 0 : i32
      %add3A_241 = arith.addi %add3A_216, %add3A_240 : i32
      %swap3A_242 = arith.index_cast %add3A_241 : i32 to index
      %swap3A_243 = arith.constant 16 : index
      %swap3A_244 = tpu.vector_load %arg6[%swap3A_242, %swap3A_243] {strides = array<i32>} : memref<2560x32xf32, #tpu.memory_space<vmem>>, vector<1x16xf32>,
      %swap3A_245 = vector.shape_cast %swap3A_244 : vector<1x16xf32> to vector<16xf32>
      %swap3A_246 = vector.shape_cast %mul3A_239 : vector<16xf32> to vector<1x16xf32>
      tpu.vector_store %arg6[%swap3A_242, %swap3A_243], %swap3A_246 {strides = array<i32>} : memref<2560x32xf32, #tpu.memory_space<vmem>>, vector<1x16xf32>,
      %add3A_247 = arith.constant 1 : i32
      %add3A_248 = arith.addi %add3A_216, %add3A_247 : i32
      %get3A_249 = arith.index_cast %add3A_248 : i32 to index
      %get3A_250 = arith.constant 0 : index
      %get3A_251 = tpu.vector_load %arg6[%get3A_249, %get3A_250] {strides = array<i32>} : memref<2560x32xf32, #tpu.memory_space<vmem>>, vector<1x16xf32>,
      %get3A_252 = vector.shape_cast %get3A_251 : vector<1x16xf32> to vector<16xf32>
      %mul3A_253 = arith.constant 5.65685415 : f32
      %mul3A_254 = vector.broadcast %mul3A_253 : f32 to vector<16xf32>
      %mul3A_255 = arith.mulf %get3A_252, %mul3A_254 : vector<16xf32>
      %add3A_256 = arith.constant 1 : i32
      %add3A_257 = arith.addi %add3A_216, %add3A_256 : i32
      %swap3A_258 = arith.index_cast %add3A_257 : i32 to index
      %swap3A_259 = arith.constant 0 : index
      %swap3A_260 = tpu.vector_load %arg6[%swap3A_258, %swap3A_259] {strides = array<i32>} : memref<2560x32xf32, #tpu.memory_space<vmem>>, vector<1x16xf32>,
      %swap3A_261 = vector.shape_cast %swap3A_260 : vector<1x16xf32> to vector<16xf32>
      %swap3A_262 = vector.shape_cast %mul3A_255 : vector<16xf32> to vector<1x16xf32>
      tpu.vector_store %arg6[%swap3A_258, %swap3A_259], %swap3A_262 {strides = array<i32>} : memref<2560x32xf32, #tpu.memory_space<vmem>>, vector<1x16xf32>,
      %add3A_263 = arith.constant 1 : i32
      %add3A_264 = arith.addi %add3A_216, %add3A_263 : i32
      %get3A_265 = arith.index_cast %add3A_264 : i32 to index
      %get3A_266 = arith.constant 16 : index
      %get3A_267 = tpu.vector_load %arg6[%get3A_265, %get3A_266] {strides = array<i32>} : memref<2560x32xf32, #tpu.memory_space<vmem>>, vector<1x16xf32>,
      %get3A_268 = vector.shape_cast %get3A_267 : vector<1x16xf32> to vector<16xf32>
      %mul3A_269 = arith.constant 5.65685415 : f32
      %mul3A_270 = vector.broadcast %mul3A_269 : f32 to vector<16xf32>
      %mul3A_271 = arith.mulf %get3A_268, %mul3A_270 : vector<16xf32>
      %add3A_272 = arith.constant 1 : i32
      %add3A_273 = arith.addi %add3A_216, %add3A_272 : i32
      %swap3A_274 = arith.index_cast %add3A_273 : i32 to index
      %swap3A_275 = arith.constant 16 : index
      %swap3A_276 = tpu.vector_load %arg6[%swap3A_274, %swap3A_275] {strides = array<i32>} : memref<2560x32xf32, #tpu.memory_space<vmem>>, vector<1x16xf32>,
      %swap3A_277 = vector.shape_cast %swap3A_276 : vector<1x16xf32> to vector<16xf32>
      %swap3A_278 = vector.shape_cast %mul3A_271 : vector<16xf32> to vector<1x16xf32>
      tpu.vector_store %arg6[%swap3A_274, %swap3A_275], %swap3A_278 {strides = array<i32>} : memref<2560x32xf32, #tpu.memory_space<vmem>>, vector<1x16xf32>,
      %add3A_279 = arith.constant 2 : i32
      %add3A_280 = arith.addi %add3A_216, %add3A_279 : i32
      %get3A_281 = arith.index_cast %add3A_280 : i32 to index
      %get3A_282 = arith.constant 0 : index
      %get3A_283 = tpu.vector_load %arg6[%get3A_281, %get3A_282] {strides = array<i32>} : memref<2560x32xf32, #tpu.memory_space<vmem>>, vector<1x16xf32>,
      %get3A_284 = vector.shape_cast %get3A_283 : vector<1x16xf32> to vector<16xf32>
      %mul3A_285 = arith.constant 5.65685415 : f32
      %mul3A_286 = vector.broadcast %mul3A_285 : f32 to vector<16xf32>
      %mul3A_287 = arith.mulf %get3A_284, %mul3A_286 : vector<16xf32>
      %add3A_288 = arith.constant 2 : i32
      %add3A_289 = arith.addi %add3A_216, %add3A_288 : i32
      %swap3A_290 = arith.index_cast %add3A_289 : i32 to index
      %swap3A_291 = arith.constant 0 : index
      %swap3A_292 = tpu.vector_load %arg6[%swap3A_290, %swap3A_291] {strides = array<i32>} : memref<2560x32xf32, #tpu.memory_space<vmem>>, vector<1x16xf32>,
      %swap3A_293 = vector.shape_cast %swap3A_292 : vector<1x16xf32> to vector<16xf32>
      %swap3A_294 = vector.shape_cast %mul3A_287 : vector<16xf32> to vector<1x16xf32>
      tpu.vector_store %arg6[%swap3A_290, %swap3A_291], %swap3A_294 {strides = array<i32>} : memref<2560x32xf32, #tpu.memory_space<vmem>>, vector<1x16xf32>,
      %add3A_295 = arith.constant 2 : i32
      %add3A_296 = arith.addi %add3A_216, %add3A_295 : i32
      %get3A_297 = arith.index_cast %add3A_296 : i32 to index
      %get3A_298 = arith.constant 16 : index
      %get3A_299 = tpu.vector_load %arg6[%get3A_297, %get3A_298] {strides = array<i32>} : memref<2560x32xf32, #tpu.memory_space<vmem>>, vector<1x16xf32>,
      %get3A_300 = vector.shape_cast %get3A_299 : vector<1x16xf32> to vector<16xf32>
      %mul3A_301 = arith.constant 5.65685415 : f32
      %mul3A_302 = vector.broadcast %mul3A_301 : f32 to vector<16xf32>
      %mul3A_303 = arith.mulf %get3A_300, %mul3A_302 : vector<16xf32>
      %add3A_304 = arith.constant 2 : i32
      %add3A_305 = arith.addi %add3A_216, %add3A_304 : i32
      %swap3A_306 = arith.index_cast %add3A_305 : i32 to index
      %swap3A_307 = arith.constant 16 : index
      %swap3A_308 = tpu.vector_load %arg6[%swap3A_306, %swap3A_307] {strides = array<i32>} : memref<2560x32xf32, #tpu.memory_space<vmem>>, vector<1x16xf32>,
      %swap3A_309 = vector.shape_cast %swap3A_308 : vector<1x16xf32> to vector<16xf32>
      %swap3A_310 = vector.shape_cast %mul3A_303 : vector<16xf32> to vector<1x16xf32>
      tpu.vector_store %arg6[%swap3A_306, %swap3A_307], %swap3A_310 {strides = array<i32>} : memref<2560x32xf32, #tpu.memory_space<vmem>>, vector<1x16xf32>,
      %add3A_311 = arith.constant 3 : i32
      %add3A_312 = arith.addi %add3A_216, %add3A_311 : i32
      %get3A_313 = arith.index_cast %add3A_312 : i32 to index
      %get3A_314 = arith.constant 0 : index
      %get3A_315 = tpu.vector_load %arg6[%get3A_313, %get3A_314] {strides = array<i32>} : memref<2560x32xf32, #tpu.memory_space<vmem>>, vector<1x16xf32>,
      %get3A_316 = vector.shape_cast %get3A_315 : vector<1x16xf32> to vector<16xf32>
      %mul3A_317 = arith.constant 5.65685415 : f32
      %mul3A_318 = vector.broadcast %mul3A_317 : f32 to vector<16xf32>
      %mul3A_319 = arith.mulf %get3A_316, %mul3A_318 : vector<16xf32>
      %add3A_320 = arith.constant 3 : i32
      %add3A_321 = arith.addi %add3A_216, %add3A_320 : i32
      %swap3A_322 = arith.index_cast %add3A_321 : i32 to index
      %swap3A_323 = arith.constant 0 : index
      %swap3A_324 = tpu.vector_load %arg6[%swap3A_322, %swap3A_323] {strides = array<i32>} : memref<2560x32xf32, #tpu.memory_space<vmem>>, vector<1x16xf32>,
      %swap3A_325 = vector.shape_cast %swap3A_324 : vector<1x16xf32> to vector<16xf32>
      %swap3A_326 = vector.shape_cast %mul3A_319 : vector<16xf32> to vector<1x16xf32>
      tpu.vector_store %arg6[%swap3A_322, %swap3A_323], %swap3A_326 {strides = array<i32>} : memref<2560x32xf32, #tpu.memory_space<vmem>>, vector<1x16xf32>,
      %add3A_327 = arith.constant 3 : i32
      %add3A_328 = arith.addi %add3A_216, %add3A_327 : i32
      %get3A_329 = arith.index_cast %add3A_328 : i32 to index
      %get3A_330 = arith.constant 16 : index
      %get3A_331 = tpu.vector_load %arg6[%get3A_329, %get3A_330] {strides = array<i32>} : memref<2560x32xf32, #tpu.memory_space<vmem>>, vector<1x16xf32>,
      %get3A_332 = vector.shape_cast %get3A_331 : vector<1x16xf32> to vector<16xf32>
      %mul3A_333 = arith.constant 5.65685415 : f32
      %mul3A_334 = vector.broadcast %mul3A_333 : f32 to vector<16xf32>
      %mul3A_335 = arith.mulf %get3A_332, %mul3A_334 : vector<16xf32>
      %add3A_336 = arith.constant 3 : i32
      %add3A_337 = arith.addi %add3A_216, %add3A_336 : i32
      %swap3A_338 = arith.index_cast %add3A_337 : i32 to index
      %swap3A_339 = arith.constant 16 : index
      %swap3A_340 = tpu.vector_load %arg6[%swap3A_338, %swap3A_339] {strides = array<i32>} : memref<2560x32xf32, #tpu.memory_space<vmem>>, vector<1x16xf32>,
      %swap3A_341 = vector.shape_cast %swap3A_340 : vector<1x16xf32> to vector<16xf32>
      %swap3A_342 = vector.shape_cast %mul3A_335 : vector<16xf32> to vector<1x16xf32>
      tpu.vector_store %arg6[%swap3A_338, %swap3A_339], %swap3A_342 {strides = array<i32>} : memref<2560x32xf32, #tpu.memory_space<vmem>>, vector<1x16xf32>,
      %add3A_343 = arith.constant 4 : i32
      %add3A_344 = arith.addi %add3A_216, %add3A_343 : i32
      %get3A_345 = arith.index_cast %add3A_344 : i32 to index
      %get3A_346 = arith.constant 0 : index
      %get3A_347 = tpu.vector_load %arg6[%get3A_345, %get3A_346] {strides = array<i32>} : memref<2560x32xf32, #tpu.memory_space<vmem>>, vector<1x16xf32>,
      %get3A_348 = vector.shape_cast %get3A_347 : vector<1x16xf32> to vector<16xf32>
      %mul3A_349 = arith.constant 5.65685415 : f32
      %mul3A_350 = vector.broadcast %mul3A_349 : f32 to vector<16xf32>
      %mul3A_351 = arith.mulf %get3A_348, %mul3A_350 : vector<16xf32>
      %add3A_352 = arith.constant 4 : i32
      %add3A_353 = arith.addi %add3A_216, %add3A_352 : i32
      %swap3A_354 = arith.index_cast %add3A_353 : i32 to index
      %swap3A_355 = arith.constant 0 : index
      %swap3A_356 = tpu.vector_load %arg6[%swap3A_354, %swap3A_355] {strides = array<i32>} : memref<2560x32xf32, #tpu.memory_space<vmem>>, vector<1x16xf32>,
      %swap3A_357 = vector.shape_cast %swap3A_356 : vector<1x16xf32> to vector<16xf32>
      %swap3A_358 = vector.shape_cast %mul3A_351 : vector<16xf32> to vector<1x16xf32>
      tpu.vector_store %arg6[%swap3A_354, %swap3A_355], %swap3A_358 {strides = array<i32>} : memref<2560x32xf32, #tpu.memory_space<vmem>>, vector<1x16xf32>,
      %add3A_359 = arith.constant 4 : i32
      %add3A_360 = arith.addi %add3A_216, %add3A_359 : i32
      %get3A_361 = arith.index_cast %add3A_360 : i32 to index
      %get3A_362 = arith.constant 16 : index
      %get3A_363 = tpu.vector_load %arg6[%get3A_361, %get3A_362] {strides = array<i32>} : memref<2560x32xf32, #tpu.memory_space<vmem>>, vector<1x16xf32>,
      %get3A_364 = vector.shape_cast %get3A_363 : vector<1x16xf32> to vector<16xf32>
      %mul3A_365 = arith.constant 5.65685415 : f32
      %mul3A_366 = vector.broadcast %mul3A_365 : f32 to vector<16xf32>
      %mul3A_367 = arith.mulf %get3A_364, %mul3A_366 : vector<16xf32>
      %add3A_368 = arith.constant 4 : i32
      %add3A_369 = arith.addi %add3A_216, %add3A_368 : i32
      %swap3A_370 = arith.index_cast %add3A_369 : i32 to index
      %swap3A_371 = arith.constant 16 : index
      %swap3A_372 = tpu.vector_load %arg6[%swap3A_370, %swap3A_371] {strides = array<i32>} : memref<2560x32xf32, #tpu.memory_space<vmem>>, vector<1x16xf32>,
      %swap3A_373 = vector.shape_cast %swap3A_372 : vector<1x16xf32> to vector<16xf32>
      %swap3A_374 = vector.shape_cast %mul3A_367 : vector<16xf32> to vector<1x16xf32>
      tpu.vector_store %arg6[%swap3A_370, %swap3A_371], %swap3A_374 {strides = array<i32>} : memref<2560x32xf32, #tpu.memory_space<vmem>>, vector<1x16xf32>,
      %add3A_375 = arith.constant 5 : i32
      %add3A_376 = arith.addi %add3A_216, %add3A_375 : i32
      %get3A_377 = arith.index_cast %add3A_376 : i32 to index
      %get3A_378 = arith.constant 0 : index
      %get3A_379 = tpu.vector_load %arg6[%get3A_377, %get3A_378] {strides = array<i32>} : memref<2560x32xf32, #tpu.memory_space<vmem>>, vector<1x16xf32>,
      %get3A_380 = vector.shape_cast %get3A_379 : vector<1x16xf32> to vector<16xf32>
      %mul3A_381 = arith.constant 5.65685415 : f32
      %mul3A_382 = vector.broadcast %mul3A_381 : f32 to vector<16xf32>
      %mul3A_383 = arith.mulf %get3A_380, %mul3A_382 : vector<16xf32>
      %add3A_384 = arith.constant 5 : i32
      %add3A_385 = arith.addi %add3A_216, %add3A_384 : i32
      %swap3A_386 = arith.index_cast %add3A_385 : i32 to index
      %swap3A_387 = arith.constant 0 : index
      %swap3A_388 = tpu.vector_load %arg6[%swap3A_386, %swap3A_387] {strides = array<i32>} : memref<2560x32xf32, #tpu.memory_space<vmem>>, vector<1x16xf32>,
      %swap3A_389 = vector.shape_cast %swap3A_388 : vector<1x16xf32> to vector<16xf32>
      %swap3A_390 = vector.shape_cast %mul3A_383 : vector<16xf32> to vector<1x16xf32>
      tpu.vector_store %arg6[%swap3A_386, %swap3A_387], %swap3A_390 {strides = array<i32>} : memref<2560x32xf32, #tpu.memory_space<vmem>>, vector<1x16xf32>,
      %add3A_391 = arith.constant 5 : i32
      %add3A_392 = arith.addi %add3A_216, %add3A_391 : i32
      %get3A_393 = arith.index_cast %add3A_392 : i32 to index
      %get3A_394 = arith.constant 16 : index
      %get3A_395 = tpu.vector_load %arg6[%get3A_393, %get3A_394] {strides = array<i32>} : memref<2560x32xf32, #tpu.memory_space<vmem>>, vector<1x16xf32>,
      %get3A_396 = vector.shape_cast %get3A_395 : vector<1x16xf32> to vector<16xf32>
      %mul3A_397 = arith.constant 5.65685415 : f32
      %mul3A_398 = vector.broadcast %mul3A_397 : f32 to vector<16xf32>
      %mul3A_399 = arith.mulf %get3A_396, %mul3A_398 : vector<16xf32>
      %add3A_400 = arith.constant 5 : i32
      %add3A_401 = arith.addi %add3A_216, %add3A_400 : i32
      %swap3A_402 = arith.index_cast %add3A_401 : i32 to index
      %swap3A_403 = arith.constant 16 : index
      %swap3A_404 = tpu.vector_load %arg6[%swap3A_402, %swap3A_403] {strides = array<i32>} : memref<2560x32xf32, #tpu.memory_space<vmem>>, vector<1x16xf32>,
      %swap3A_405 = vector.shape_cast %swap3A_404 : vector<1x16xf32> to vector<16xf32>
      %swap3A_406 = vector.shape_cast %mul3A_399 : vector<16xf32> to vector<1x16xf32>
      tpu.vector_store %arg6[%swap3A_402, %swap3A_403], %swap3A_406 {strides = array<i32>} : memref<2560x32xf32, #tpu.memory_space<vmem>>, vector<1x16xf32>,
      %add3A_407 = arith.constant 6 : i32
      %add3A_408 = arith.addi %add3A_216, %add3A_407 : i32
      %get3A_409 = arith.index_cast %add3A_408 : i32 to index
      %get3A_410 = arith.constant 0 : index
      %get3A_411 = tpu.vector_load %arg6[%get3A_409, %get3A_410] {strides = array<i32>} : memref<2560x32xf32, #tpu.memory_space<vmem>>, vector<1x16xf32>,
      %get3A_412 = vector.shape_cast %get3A_411 : vector<1x16xf32> to vector<16xf32>
      %mul3A_413 = arith.constant 5.65685415 : f32
      %mul3A_414 = vector.broadcast %mul3A_413 : f32 to vector<16xf32>
      %mul3A_415 = arith.mulf %get3A_412, %mul3A_414 : vector<16xf32>
      %add3A_416 = arith.constant 6 : i32
      %add3A_417 = arith.addi %add3A_216, %add3A_416 : i32
      %swap3A_418 = arith.index_cast %add3A_417 : i32 to index
      %swap3A_419 = arith.constant 0 : index
      %swap3A_420 = tpu.vector_load %arg6[%swap3A_418, %swap3A_419] {strides = array<i32>} : memref<2560x32xf32, #tpu.memory_space<vmem>>, vector<1x16xf32>,
      %swap3A_421 = vector.shape_cast %swap3A_420 : vector<1x16xf32> to vector<16xf32>
      %swap3A_422 = vector.shape_cast %mul3A_415 : vector<16xf32> to vector<1x16xf32>
      tpu.vector_store %arg6[%swap3A_418, %swap3A_419], %swap3A_422 {strides = array<i32>} : memref<2560x32xf32, #tpu.memory_space<vmem>>, vector<1x16xf32>,
      %add3A_423 = arith.constant 6 : i32
      %add3A_424 = arith.addi %add3A_216, %add3A_423 : i32
      %get3A_425 = arith.index_cast %add3A_424 : i32 to index
      %get3A_426 = arith.constant 16 : index
      %get3A_427 = tpu.vector_load %arg6[%get3A_425, %get3A_426] {strides = array<i32>} : memref<2560x32xf32, #tpu.memory_space<vmem>>, vector<1x16xf32>,
      %get3A_428 = vector.shape_cast %get3A_427 : vector<1x16xf32> to vector<16xf32>
      %mul3A_429 = arith.constant 5.65685415 : f32
      %mul3A_430 = vector.broadcast %mul3A_429 : f32 to vector<16xf32>
      %mul3A_431 = arith.mulf %get3A_428, %mul3A_430 : vector<16xf32>
      %add3A_432 = arith.constant 6 : i32
      %add3A_433 = arith.addi %add3A_216, %add3A_432 : i32
      %swap3A_434 = arith.index_cast %add3A_433 : i32 to index
      %swap3A_435 = arith.constant 16 : index
      %swap3A_436 = tpu.vector_load %arg6[%swap3A_434, %swap3A_435] {strides = array<i32>} : memref<2560x32xf32, #tpu.memory_space<vmem>>, vector<1x16xf32>,
      %swap3A_437 = vector.shape_cast %swap3A_436 : vector<1x16xf32> to vector<16xf32>
      %swap3A_438 = vector.shape_cast %mul3A_431 : vector<16xf32> to vector<1x16xf32>
      tpu.vector_store %arg6[%swap3A_434, %swap3A_435], %swap3A_438 {strides = array<i32>} : memref<2560x32xf32, #tpu.memory_space<vmem>>, vector<1x16xf32>,
      %add3A_439 = arith.constant 7 : i32
      %add3A_440 = arith.addi %add3A_216, %add3A_439 : i32
      %get3A_441 = arith.index_cast %add3A_440 : i32 to index
      %get3A_442 = arith.constant 0 : index
      %get3A_443 = tpu.vector_load %arg6[%get3A_441, %get3A_442] {strides = array<i32>} : memref<2560x32xf32, #tpu.memory_space<vmem>>, vector<1x16xf32>,
      %get3A_444 = vector.shape_cast %get3A_443 : vector<1x16xf32> to vector<16xf32>
      %mul3A_445 = arith.constant 5.65685415 : f32
      %mul3A_446 = vector.broadcast %mul3A_445 : f32 to vector<16xf32>
      %mul3A_447 = arith.mulf %get3A_444, %mul3A_446 : vector<16xf32>
      %add3A_448 = arith.constant 7 : i32
      %add3A_449 = arith.addi %add3A_216, %add3A_448 : i32
      %swap3A_450 = arith.index_cast %add3A_449 : i32 to index
      %swap3A_451 = arith.constant 0 : index
      %swap3A_452 = tpu.vector_load %arg6[%swap3A_450, %swap3A_451] {strides = array<i32>} : memref<2560x32xf32, #tpu.memory_space<vmem>>, vector<1x16xf32>,
      %swap3A_453 = vector.shape_cast %swap3A_452 : vector<1x16xf32> to vector<16xf32>
      %swap3A_454 = vector.shape_cast %mul3A_447 : vector<16xf32> to vector<1x16xf32>
      tpu.vector_store %arg6[%swap3A_450, %swap3A_451], %swap3A_454 {strides = array<i32>} : memref<2560x32xf32, #tpu.memory_space<vmem>>, vector<1x16xf32>,
      %add3A_455 = arith.constant 7 : i32
      %add3A_456 = arith.addi %add3A_216, %add3A_455 : i32
      %get3A_457 = arith.index_cast %add3A_456 : i32 to index
      %get3A_458 = arith.constant 16 : index
      %get3A_459 = tpu.vector_load %arg6[%get3A_457, %get3A_458] {strides = array<i32>} : memref<2560x32xf32, #tpu.memory_space<vmem>>, vector<1x16xf32>,
      %get3A_460 = vector.shape_cast %get3A_459 : vector<1x16xf32> to vector<16xf32>
      %mul3A_461 = arith.constant 5.65685415 : f32
      %mul3A_462 = vector.broadcast %mul3A_461 : f32 to vector<16xf32>
      %mul3A_463 = arith.mulf %get3A_460, %mul3A_462 : vector<16xf32>
      %add3A_464 = arith.constant 7 : i32
      %add3A_465 = arith.addi %add3A_216, %add3A_464 : i32
      %swap3A_466 = arith.index_cast %add3A_465 : i32 to index
      %swap3A_467 = arith.constant 16 : index
      %swap3A_468 = tpu.vector_load %arg6[%swap3A_466, %swap3A_467] {strides = array<i32>} : memref<2560x32xf32, #tpu.memory_space<vmem>>, vector<1x16xf32>,
      %swap3A_469 = vector.shape_cast %swap3A_468 : vector<1x16xf32> to vector<16xf32>
      %swap3A_470 = vector.shape_cast %mul3A_463 : vector<16xf32> to vector<1x16xf32>
      tpu.vector_store %arg6[%swap3A_466, %swap3A_467], %swap3A_470 {strides = array<i32>} : memref<2560x32xf32, #tpu.memory_space<vmem>>, vector<1x16xf32>,
      %scan3A_471 = arith.constant 0 : i32
      scf.yield %scan3A_471 : i32
    }
    %scan3A_208 = arith.constant 160 : i32
    %add3A_209 = arith.constant 24320 : i32
    %add3A_210 = arith.addi %mul3A_4, %add3A_209 : i32
    "tpu.region"() ({
      %run_scoped3A = tpu.sem_alloc : memref<!tpu.dma_semaphore, #tpu.memory_space<semaphore_mem>>
      %dma_start3A_211 = arith.constant 1280 : i32
      %dma_start3A_212 = arith.constant 0 : i32
      %dma_start3A_213 = tpu.memref_slice %arg6[%dma_start3A_211, %dma_start3A_212] : memref<2560x32xf32, #tpu.memory_space<vmem>> -> memref<1280x32xf32, #tpu.memory_space<vmem>>
      %dma_start3A_214 = arith.constant 0 : i32
      %dma_start3A_215 = tpu.memref_slice %arg4[%add3A_210, %dma_start3A_214] : memref<819200x32xf32, #tpu.memory_space<hbm>> -> memref<1280x32xf32, #tpu.memory_space<hbm>>
      %dma_start3A_216 = arith.constant 0 : i32
      %dma_start3A_217 = tpu.memref_slice %arg4[%add3A_210, %dma_start3A_216] : memref<819200x32xf32, #tpu.memory_space<hbm>> -> memref<1280x32xf32, #tpu.memory_space<hbm>>
      %dma_start3A_218 = arith.constant 1280 : i32
      %dma_start3A_219 = arith.constant 0 : i32
      %dma_start3A_220 = tpu.memref_slice %arg6[%dma_start3A_218, %dma_start3A_219] : memref<2560x32xf32, #tpu.memory_space<vmem>> -> memref<1280x32xf32, #tpu.memory_space<vmem>>
      tpu.enqueue_dma source(%dma_start3A_220 : memref<1280x32xf32, #tpu.memory_space<vmem>>) target(%dma_start3A_217 : memref<1280x32xf32, #tpu.memory_space<hbm>>) target_semaphore(%run_scoped3A : memref<!tpu.dma_semaphore, #tpu.memory_space<semaphore_mem>>)
      %dma_wait3A_221 = arith.constant 1280 : i32
      %dma_wait3A_222 = arith.constant 0 : i32
      %dma_wait3A_223 = tpu.memref_slice %arg6[%dma_wait3A_221, %dma_wait3A_222] : memref<2560x32xf32, #tpu.memory_space<vmem>> -> memref<1280x32xf32, #tpu.memory_space<vmem>>
      %dma_wait3A_224 = arith.constant 0 : i32
      %dma_wait3A_225 = tpu.memref_slice %arg4[%add3A_210, %dma_wait3A_224] : memref<819200x32xf32, #tpu.memory_space<hbm>> -> memref<1280x32xf32, #tpu.memory_space<hbm>>
      %dma_wait3A_226 = arith.constant 0 : i32
      %dma_wait3A_227 = tpu.memref_slice %arg4[%add3A_210, %dma_wait3A_226] : memref<819200x32xf32, #tpu.memory_space<hbm>> -> memref<1280x32xf32, #tpu.memory_space<hbm>>
      %dma_wait3A_228 = arith.constant 1280 : i32
      %dma_wait3A_229 = arith.constant 0 : i32
      %dma_wait3A_230 = tpu.memref_slice %arg6[%dma_wait3A_228, %dma_wait3A_229] : memref<2560x32xf32, #tpu.memory_space<vmem>> -> memref<1280x32xf32, #tpu.memory_space<vmem>>
      tpu.wait_dma2 semaphore(%run_scoped3A : memref<!tpu.dma_semaphore, #tpu.memory_space<semaphore_mem>>) src(%dma_wait3A_230 : memref<1280x32xf32, #tpu.memory_space<vmem>>) dst(%dma_wait3A_227 : memref<1280x32xf32, #tpu.memory_space<hbm>>)
      tpu.yield
    }) : () -> ()
    return
  }
}

</mosaic_0001>

<sc_bundles>
// kernel: kernel.3.cloned.1.call-start
scs
__scs_entry_jumppad:
0x0: {  	(pc) =	sbr.rel $0x88, $3  }
0x1: {  	(tag) =	ssettag $0x0;
	lr =	simm.s32 $0x1  }
0x2: {  	[smem:$0x3F9F] =	sst lr;
	_ =	strace $0xD0000000  }
0x3: {  	_ = 	snop  }
0x4: {  	_ = 	snop  }
0x5: {  	_ = 	snop  }
0x6: {  	_ = 	snop  }
0x7: {  	_ = 	snop  }
__scs_overlays_trampoline_lowered:
0x8: {  	[smem:$0x3FAE] =	sst s0  }
0x9: {  	[smem:$0x3FAF] =	sst s1  }
0xa: {  	[smem:$0x3FB0] =	sst s2  }
0xb: {  	[smem:$0x3FB1] =	sst s3  }
0xc: {  	[smem:$0x3FB2] =	sst s4  }
0xd: {  	[smem:$0x3FB3] =	sst s5  }
0xe: {  	[smem:$0x3FB4] =	sst s6  }
0xf: {  	[smem:$0x3FB5] =	sst s7  }
0x10: {  	[smem:$0x3FB6] =	sst s8  }
0x11: {  	[smem:$0x3FB7] =	sst s9;
	s0 =	simm.s32 @!p0 $0x0  }
0x12: {  	s1 =	sld [smem:$0x3F9D];
	s0 =	simm.s32 @p0 $0x1  }
0x13: {  	[smem:$0x3FB8] =	sst s0;
	s0 =	simm.s32 @!p1 $0x0  }
0x14: {  	s2 =	sld [smem:$0x3F9C];
	s0 =	simm.s32 @p1 $0x1  }
0x15: {  	[smem:$0x3FB9] =	sst s0;
	s0 =	simm.s32 @!p2 $0x0  }
0x16: {  	s3 =	sld [smem:$0x3FDB];
	s0 =	simm.s32 @p2 $0x1  }
0x17: {  	s4 =	simm.s32 $0x1BF5;
	[smem:$0x3FBB] =	sst s0  }
0x18: {  	s0 =	sld [smem:$0x3F9E];
	_ =	swait.ge [sflag:s4], $0x0  }
0x19: {  	s7 =	sld [smem:$0x3F9F]  }
0x1a: {  	s8 =	sadd.s32 $0xFFFFE003, lr  }
0x1b: {  	s9 =	sadd.s32 $0xFFFFFEF7, lr;
	s5 =	simm.s32 $0xFFFFFFFF;
	p2 =	slt.u32 s8, $0xFFFFF086  }
0x1c: {  	p1 =	slt.u32 s9, $0xF7A;
	s5 =	simm.s32 @!p2 $0x0  }
0x1d: {  	s5 =	simm.s32 @p1 $0x1;
	p0 =	seq.s32 s7, s2  }
0x1e: {  	s7 =	smul.u32 @!p0 $0xF7A, s2;
	p2 =	seq.s32 @!p0 s5, $0x0  }
0x1f: {  	s9 =	smul.u32 $0xF7A, s1;
	s8 =	simm.s32 @!p0 $0x1BF5;
	p2 =	por !p2, p0  }
0x20: {  	[sflag:s8] =	ssyncset.s32 @!p0 $0xFFFFF086;
	s6 =	sadd.s32 @!p0 s3, s7;
	s7 =	simm.s32 @!p0 $0x108  }
0x21: {  	s3 =	sadd.s32 s3, s9;
	s6 =	sadd.s32 @!p0 $0x88, s6;
	s7 =	simm.s32 @p2 $0x1082  }
0x22: {  	[simem:s7], [sflag:s8] =	dma.local @!p0 [hbm:s6], $0xF7A  }
0x23: {  	s9 =	sor.u32 $0xD0000000, s2;
	s6 =	simm.s32 $0x108;
	_ =	swait.ge @!p0 [sflag:s8], $0x0  }
0x24: {  	s3 =	sadd.s32 $0x88, s3;
	s6 =	simm.s32 @!p1 $0x1082;
	[sflag:s4] =	ssyncset.s32 $0xFFFFF086  }
0x25: {  	[simem:s6], [sflag:s4] =	dma.local [hbm:s3], $0xF7A  }
0x26: {  	[smem:$0x3F9F] =	sst s1;
	(tag) =	ssettag s2;
	_ =	strace s9  }
0x27: {  	s1 =	sld [smem:$0x3FAF]  }
0x28: {  	s2 =	sld [smem:$0x3FB0]  }
0x29: {  	s4 =	sld [smem:$0x3FB2]  }
0x2a: {  	p0 =	seq.s32 s5, $0x0;
	s5 =	sld [smem:$0x3FB3]  }
0x2b: {  	s6 =	sld [smem:$0x3FB4]  }
0x2c: {  	s7 =	sld [smem:$0x3FB5]  }
0x2d: {  	s3 =	simm.s32 $0x108;
	s8 =	sld [smem:$0x3FB6]  }
0x2e: {  	s3 =	simm.s32 @!p0 $0x1082;
	s9 =	sld [smem:$0x3FB7]  }
0x2f: {  	lr =	sadd.s32 s0, s3;
	s0 =	sld [smem:$0x3FAE]  }
0x30: {  	s3 =	sld [smem:$0x3FB1]  }
0x31: {  	[smem:$0x3FBA] =	sst s10  }
0x32: {  	s10 =	sld [smem:$0x3FB8];
	_ =	sdelay $0x3  }
0x33: {  	p0 =	seq.s32 s10, $0x1;
	s10 =	sld [smem:$0x3FBA];
	_ =	sdelay $0x3  }
0x34: {  	[smem:$0x3FBA] =	sst s10  }
0x35: {  	s10 =	sld [smem:$0x3FB9];
	_ =	sdelay $0x3  }
0x36: {  	p1 =	seq.s32 s10, $0x1;
	s10 =	sld [smem:$0x3FBA];
	_ =	sdelay $0x3  }
0x37: {  	[smem:$0x3FBA] =	sst s10  }
0x38: {  	s10 =	sld [smem:$0x3FBB]  }
0x39: {  	_ = 	snop;
	(pc) =	sbr.ind lr, $3  }
0x3a: {  	_ = 	snop  }
0x3b: {  	_ = 	snop  }
0x3c: {  	p2 =	seq.s32 s10, $0x1;
	s10 =	sld [smem:$0x3FBA]  }
0x3d: {  	_ =	shalt  }
0x3e: {  	_ =	shalt  }
0x3f: {  	_ =	shalt  }
0x40: {  	_ =	shalt  }
0x41: {  	_ =	shalt  }
0x42: {  	_ =	shalt  }
0x43: {  	_ =	shalt  }
0x44: {  	_ =	shalt  }
0x45: {  	_ =	shalt  }
0x46: {  	_ =	shalt  }
0x47: {  	_ =	shalt  }
0x48: {  	_ =	shalt  }
0x49: {  	_ =	shalt  }
0x4a: {  	_ =	shalt  }
0x4b: {  	_ =	shalt  }
0x4c: {  	_ =	shalt  }
0x4d: {  	_ =	shalt  }
0x4e: {  	_ =	shalt  }
0x4f: {  	_ =	shalt  }
0x50: {  	_ =	shalt  }
0x51: {  	_ =	shalt  }
0x52: {  	_ =	shalt  }
0x53: {  	_ =	shalt  }
0x54: {  	_ =	shalt  }
0x55: {  	_ =	shalt  }
0x56: {  	_ =	shalt  }
0x57: {  	_ =	shalt  }
0x58: {  	_ =	shalt  }
0x59: {  	_ =	shalt  }
0x5a: {  	_ =	shalt  }
0x5b: {  	_ =	shalt  }
0x5c: {  	_ =	shalt  }
0x5d: {  	_ =	shalt  }
0x5e: {  	_ =	shalt  }
0x5f: {  	_ =	shalt  }
0x60: {  	_ =	shalt  }
0x61: {  	_ =	shalt  }
0x62: {  	_ =	shalt  }
0x63: {  	_ =	shalt  }
0x64: {  	_ =	shalt  }
0x65: {  	_ =	shalt  }
0x66: {  	_ =	shalt  }
0x67: {  	_ =	shalt  }
0x68: {  	_ =	shalt  }
0x69: {  	_ =	shalt  }
0x6a: {  	_ =	shalt  }
0x6b: {  	_ =	shalt  }
0x6c: {  	_ =	shalt  }
0x6d: {  	_ =	shalt  }
0x6e: {  	_ =	shalt  }
0x6f: {  	_ =	shalt  }
0x70: {  	_ =	shalt  }
0x71: {  	_ =	shalt  }
0x72: {  	_ =	shalt  }
0x73: {  	_ =	shalt  }
0x74: {  	_ =	shalt  }
0x75: {  	_ =	shalt  }
0x76: {  	_ =	shalt  }
0x77: {  	_ =	shalt  }
0x78: {  	_ =	shalt  }
0x79: {  	_ =	shalt  }
0x7a: {  	_ =	shalt  }
0x7b: {  	_ =	shalt  }
0x7c: {  	_ =	shalt  }
0x7d: {  	_ =	shalt  }
0x7e: {  	_ =	shalt  }
0x7f: {  	_ =	shalt  }
0x80: {  	_ =	shalt  }
0x81: {  	_ =	shalt  }
0x82: {  	_ =	shalt  }
0x83: {  	_ =	shalt  }
0x84: {  	_ =	shalt  }
0x85: {  	_ =	shalt  }
0x86: {  	_ =	shalt  }
0x87: {  	_ =	shalt  }
.Lfunc_end0:
.L_simem_size_0:
called_computation.1_lowered:
.L_overlay_start_0:
0x88: {  	s2 =	sld [smem:$0x3FD9]  }
0x89: {  	s3 =	sld [smem:$0x3FFE];
	_ =	sdelay $0x1  }
0x8a: {  	s1 =	srdreg.scid  }
0x8b: {  	s0 =	sand.u32 $0x1, s1  }
0x8c: {  	s17 =	sshll.u32 s0, $0xA;
	s2 =	sadd.s32 s3, s2  }
0x8d: {  	s2 =	sadd.s32 s2, s17  }
0x8e: {  	[smem:$0x3FC6] =	sst s2  }
0x8f: {  	_ = 	snop  }
0x90: {  	s2 =	sld [smem:$0x3FD0];
	(tm) =	ssettm $0x1  }
0x91: {  	s18 =	sld [smem:$0x3FFB];
	_ =	sdelay $0x3  }
0x92: {  	_ =	strace s18  }
0x93: {  	s3 =	sld [smem:$0x3FFC];
	_ =	sdelay $0x3  }
0x94: {  	_ =	strace s3  }
0x95: {  	s3 =	sld [smem:$0x3FFD];
	_ =	sdelay $0x3  }
0x96: {  	_ =	strace s3  }
0x97: {  	_ =	strace $0x8FFFFFFF  }
0x98: {  	s19 =	sld [smem:$0x3FDB];
	_ =	sdelay $0x1  }
0x99: {  	s4 =	simm.s32 $_scs_section_size  }
0x9a: {  	s5 =	simm.s32 $_size__tile_overlayer_lowered;
	s6 =	simm.s32 $_tile_overlayer_lowered  }
0x9b: {  	s22 =	simm.s32 $0x1BFF;
	s21 =	sshll.u32 s6, $0x1;
	s3 =	sadd.s32 s4, s19  }
0x9c: {  	s7 =	simm.s32 $0x0;
	s20 =	sshll.u32 s5, $0x1;
	s5 =	sadd.s32 s21, s3  }
0x9d: {  	[timem:s7], [sflag:s22] =	dma.local [hbm:s5], s20  }
0x9e: {  	_ =	swait.ge [sflag:s22], s20  }
0x9f: {  	s4 =	ssub.s32 $0x0, s20;
	[sflag:s22] =	ssyncset.done $0x0  }
0xa0: {  	[sflag:s22] =	ssyncadd.s32 s4;
	_ =	sdelay $0x1  }
0xa1: {  	s23 =	simm.s32 $0x1B8B  }
0xa2: {  	_ =	swait.ge [sflag:s23], $0x1  }
0xa3: {  	[sflag:s23] =	ssyncset.done $0x0  }
0xa4: {  	s25 =	simm.s32 $0x1B8E;
	s24 =	sld [smem:$0x3FFE];
	[sflag:s23] =	ssyncadd.s32 $0xFFFFFFFF  }
0xa5: {  	s26 =	simm.s32 $execute0_lowered;
	[smem:$0x3FD2] =	sst s25  }
0xa6: {  	s5 =	sshll.u32 s26, $0x1;
	_ =	strace $0x80000046;
	[dreg:$0x1] =	wrdreg $0xFFFFFFFF  }
0xa7: {  	s28 =	simm.s32 $_size_execute0_lowered;
	s3 =	sadd.s32 s3, s5;
	[dreg:$0x0] =	wrdreg $0x0  }
0xa8: {  	s5 =	sshll.u32 s28, $0x1;
	[dreg:$0x2] =	wrdreg s3  }
0xa9: {  	[dreg:$0x3] =	wrdreg s5  }
0xaa: {  	[dreg:$0x4] =	wrdreg $0xC0  }
0xab: {  	_ =	task [dreg:s7], $0x5FFFF  }
0xac: {  	[dreg:$0x1] =	wrdreg $0xFFFFFFFF  }
0xad: {  	[dreg:$0x0] =	wrdreg $0x60  }
0xae: {  	[dreg:$0x2] =	wrdreg s24  }
0xaf: {  	[dreg:$0x3] =	wrdreg s2  }
0xb0: {  	[dreg:$0x4] =	wrdreg $0x9  }
0xb1: {  	_ =	task.clear_ibuf [dreg:s7], $0x5FFFF;
	_ =	strace $0x90000046  }
0xb2: {  	s29 =	simm.s32 $0x9;
	_ =	strace $0x80000048  }
0xb3: {  	_ =	swait.ge [sflag:s29], $0x1  }
0xb4: {  	[sflag:s29] =	ssyncadd.s32 $0xFFFFFFFF  }
0xb5: {  	_ =	strace $0x90000048  }
0xb6: {  	_ =	sfence  }
0xb7: {  	s30 =	sld [smem:$0x0];
	_ =	sdelay $0x2  }
0xb8: {  	s31 =	sshll.u32 s1, $0xD;
	s1 =	sshrl.u32 s1, $0x2  }
0xb9: {  	s3 =	sand.u32 $0x4000, s31;
	s1 =	sadd.s32 s1, s30  }
0xba: {  	s0 =	sor.u32 s3, s0;
	s1 =	sshll.u32 s1, $0x11  }
0xbb: {  	s0 =	sor.u32 s1, s0  }
0xbc: {  	s0 =	sadd.s32 $0x8F2B, s0  }
0xbd: {  	[sflag:s0] =	ssyncadd.remote.s32 $0x1  }
0xbe: {  	_ =	sfence.sel $0xFFFF  }
0xbf: {  	[dreg:$0x0] =	wrdreg $0xFFFFFFFF;
	(pc) =	sbr.abs _section_cstart, $3  }
0xc0: {  	[dreg:$0x1] =	wrdreg $0xFFFFFFFF  }
0xc1: {  	_ =	task.clear_ibuf [dreg:s7], $0x2FFFF;
	_ =	strace $0x9FFFFFFF  }
0xc2: {  	(tm) =	ssettm $0x7FFFFFFF  }
0xc3: {  	_ =	shalt  }
tec
execute0_lowered:
.L_overlay_start_1:
0x0: {  	(tag) =	ssettag $0x1  }
0x1: {  	s0 =	srdreg.scid;
	s2 =	stileid.u32  }
0x2: {  	s1 =	rddreg [dreg:$0x0];
	s10 =	simm.s32 $0x3;
	s11 =	simm.s32 $0x80  }
0x3: {  	s12 =	simm.s32 $0x6400;
	s19 =	simm.s32 $0xA400;
	s21 =	simm.s32 $0xB400  }
0x4: {  	s28 =	simm.s32 $0xE400;
	s30 =	simm.s32 $0xF400;
	s31 =	simm.s32 $0x10400  }
0x5: {  	s14 =	simm.s32 $0x13400;
	s16 =	simm.s32 $0x14400;
	s18 =	simm.s32 $0x15400  }
0x6: {  	s20 =	simm.s32 $0x16400;
	s22 =	simm.s32 $0x17400;
	s29 =	simm.s32 $0x1  }
0x7: {  	s8 =	simm.s32 $0x0;
	s0 =	sand.u32 $0x1, s0;
	s3 =	sshll.u32 s2, $0x1  }
0x8: {  	s2 =	rddreg [dreg:$0x1];
	s5 =	sor.u32 s0, s3;
	s3 =	simm.s32 $0x0  }
0x9: {  	s0 =	ssub.s32 $0x2, s0;
	s4 =	smul.u32 $0x6400, s5;
	[smem:$0x7FF] =	sst s3  }
0xa: {  	s5 =	smul.u32 $0xC8000, s5;
	s23 =	sshrl.u32 s0, $0x1;
	_ =	strace $0x80000047  }
0xb: {  	s0 =	ssub.s32 s0, s23;
	s23 =	simm.s32 $0xC400;
	s6 =	sshrl.u32 s4, $0x3  }
0xc: {  	s7 =	sshrl.u32 s5, $0x3;
	s0 =	smax.u32 s0, $0x1;
	s6 =	sadd.s32 s6, s1  }
0xd: {  	s7 =	sadd.s32 s2, s7;
	[dreg:$0x6] =	wrdreg s0;
	s24 =	sadd.s32 $0xA00, s6  }
0xe: {  	s5 =	sadd.s32 $0xF42E00, s1;
	s25 =	sadd.s32 $0x16800, s7;
	[dreg:$0x3] =	wrdreg s24  }
0xf: {  	s1 =	simm.s32 $0x11400;
	s26 =	sadd.s32 $0x17C00, s7;
	[dreg:$0x4] =	wrdreg s25  }
0x10: {  	s0 =	simm.s32 $0x12400;
	s6 =	simm.s32 $0x2;
	[dreg:$0x5] =	wrdreg s26  }
0x11: {  	s25 =	simm.s32 $0xD400;
	s24 =	simm.s32 $0x18400;
	s26 =	simm.s32 $0x19400  }
.LBB2_1:
0x12: {  	[dreg:$0x7] =	wrdreg s8  }
0x13: {  	s7 =	rddreg [dreg:$0x3]  }
0x14: {  	[tilespmem:s3], [sflag:$0x3] =	stream.linear.gather [hbm4b:s7+s3], $0x6400, $0x38;
	[tilespmem:$0x1A400] =	vst v63  }
0x15: {  	_ =	swait.ge [sflag:s10], $0x6400  }
0x16: {  	[sflag:s10] =	ssyncset.done $0x0  }
0x17: {  	[sflag:s10] =	ssyncadd.s32 $0xFFFF9C00  }
0x18: {  	[tilespmem:s12], [sflag:$0x1] =	stream.indirect.gather [hbm4b:s5+s11], $0x20, s3, s11, $0xb8;
	[tilespmem:$0x1A400] =	vst v63  }
0x19: {  	s17 =	simm.s32 $0x7400  }
0x1a: {  	[tilespmem:s17], [sflag:$0x1] =	stream.indirect.gather [hbm4b:s5+s11], $0x20, s11, s11, $0xb8;
	[tilespmem:$0x1A400] =	vst v63  }
0x1b: {  	s8 =	simm.s32 $0x100;
	s9 =	simm.s32 $0x8400  }
0x1c: {  	[tilespmem:s9], [sflag:$0x1] =	stream.indirect.gather [hbm4b:s5+s11], $0x20, s8, s11, $0xb8;
	[tilespmem:$0x1A400] =	vst v63  }
0x1d: {  	s13 =	simm.s32 $0x180;
	s15 =	simm.s32 $0x9400  }
0x1e: {  	[tilespmem:s15], [sflag:$0x1] =	stream.indirect.gather [hbm4b:s5+s11], $0x20, s13, s11, $0xb8;
	[tilespmem:$0x1A400] =	vst v63  }
0x1f: {  	s17 =	simm.s32 $0x200  }
0x20: {  	[tilespmem:s19], [sflag:$0x1] =	stream.indirect.gather [hbm4b:s5+s11], $0x20, s17, s11, $0xb8;
	[tilespmem:$0x1A400] =	vst v63  }
0x21: {  	s8 =	simm.s32 $0x280  }
0x22: {  	[tilespmem:s21], [sflag:$0x1] =	stream.indirect.gather [hbm4b:s5+s11], $0x20, s8, s11, $0xb8;
	[tilespmem:$0x1A400] =	vst v63  }
0x23: {  	s9 =	simm.s32 $0x300  }
0x24: {  	[tilespmem:s23], [sflag:$0x1] =	stream.indirect.gather [hbm4b:s5+s11], $0x20, s9, s11, $0xb8;
	[tilespmem:$0x1A400] =	vst v63  }
0x25: {  	s13 =	simm.s32 $0x380  }
0x26: {  	[tilespmem:s25], [sflag:$0x1] =	stream.indirect.gather [hbm4b:s5+s11], $0x20, s13, s11, $0xb8;
	[tilespmem:$0x1A400] =	vst v63  }
0x27: {  	s15 =	simm.s32 $0x400  }
0x28: {  	[tilespmem:s28], [sflag:$0x1] =	stream.indirect.gather [hbm4b:s5+s11], $0x20, s15, s11, $0xb8;
	[tilespmem:$0x1A400] =	vst v63  }
0x29: {  	s17 =	simm.s32 $0x480;
	s8 =	simm.s32 $0x0  }
0x2a: {  	[tilespmem:s30], [sflag:$0x1] =	stream.indirect.gather [hbm4b:s5+s11], $0x20, s17, s11, $0xb8;
	[tilespmem:$0x1A400] =	vst v63  }
.LBB2_2:
0x2b: {  	s7 =	smul.u32 $0xA00, s8;
	_ =	sdelay $0x1  }
0x2c: {  	s9 =	sadd.s32 $0x500, s7  }
0x2d: {  	[tilespmem:s31], [sflag:$0x2] =	stream.indirect.gather [hbm4b:s5+s11], $0x20, s9, s11, $0xb8;
	[tilespmem:$0x1A400] =	vst v63  }
0x2e: {  	s13 =	sadd.s32 $0x580, s7  }
0x2f: {  	[tilespmem:s1], [sflag:$0x2] =	stream.indirect.gather [hbm4b:s5+s11], $0x20, s13, s11, $0xb8;
	[tilespmem:$0x1A400] =	vst v63  }
0x30: {  	s15 =	sadd.s32 $0x600, s7  }
0x31: {  	[tilespmem:s0], [sflag:$0x2] =	stream.indirect.gather [hbm4b:s5+s11], $0x20, s15, s11, $0xb8;
	[tilespmem:$0x1A400] =	vst v63  }
0x32: {  	s17 =	sadd.s32 $0x680, s7  }
0x33: {  	[tilespmem:s14], [sflag:$0x2] =	stream.indirect.gather [hbm4b:s5+s11], $0x20, s17, s11, $0xb8;
	[tilespmem:$0x1A400] =	vst v63  }
0x34: {  	s15 =	sadd.s32 $0x700, s7  }
0x35: {  	[tilespmem:s16], [sflag:$0x2] =	stream.indirect.gather [hbm4b:s5+s11], $0x20, s15, s11, $0xb8;
	[tilespmem:$0x1A400] =	vst v63  }
0x36: {  	s17 =	sadd.s32 $0x780, s7  }
0x37: {  	[tilespmem:s18], [sflag:$0x2] =	stream.indirect.gather [hbm4b:s5+s11], $0x20, s17, s11, $0xb8;
	[tilespmem:$0x1A400] =	vst v63  }
0x38: {  	s15 =	sadd.s32 $0x800, s7  }
0x39: {  	[tilespmem:s20], [sflag:$0x2] =	stream.indirect.gather [hbm4b:s5+s11], $0x20, s15, s11, $0xb8;
	[tilespmem:$0x1A400] =	vst v63  }
0x3a: {  	s17 =	sadd.s32 $0x880, s7  }
0x3b: {  	[tilespmem:s22], [sflag:$0x2] =	stream.indirect.gather [hbm4b:s5+s11], $0x20, s17, s11, $0xb8;
	[tilespmem:$0x1A400] =	vst v63  }
0x3c: {  	s15 =	sadd.s32 $0x900, s7  }
0x3d: {  	[tilespmem:s24], [sflag:$0x2] =	stream.indirect.gather [hbm4b:s5+s11], $0x20, s15, s11, $0xb8;
	[tilespmem:$0x1A400] =	vst v63  }
0x3e: {  	s17 =	sadd.s32 $0x980, s7  }
0x3f: {  	[tilespmem:s26], [sflag:$0x2] =	stream.indirect.gather [hbm4b:s5+s11], $0x20, s17, s11, $0xb8;
	[tilespmem:$0x1A400] =	vst v63  }
0x40: {  	_ =	swait.ge [sflag:s29], $0xA000  }
0x41: {  	[sflag:s29] =	ssyncset.done $0x0  }
0x42: {  	s13 =	simm.s32 $0x0;
	[sflag:s29] =	ssyncadd.s32 $0xFFFF6000  }
0x43: {  	v0 =	vld [tilespmem:s13+$0x6400]  }
0x44: {  	v1 =	vld [tilespmem:s13+$0x6410]  }
0x45: {  	v2 =	vld [tilespmem:s13+$0x6420]  }
0x46: {  	v3 =	vld [tilespmem:s13+$0x6430]  }
0x47: {  	v4 =	vld [tilespmem:s13+$0x6440]  }
0x48: {  	v5 =	vld [tilespmem:s13+$0x6450];
	v0 =	vmul.f32 $5.656854150e+00, v0  }
0x49: {  	v6 =	vld [tilespmem:s13+$0x6460];
	v1 =	vmul.f32 $5.656854150e+00, v1  }
0x4a: {  	v7 =	vld [tilespmem:s13+$0x6470];
	[tilespmem:s13+$0x6400] =	vst v0;
	v0 =	vmul.f32 $5.656854150e+00, v2  }
0x4b: {  	v8 =	vld [tilespmem:s13+$0x6480];
	[tilespmem:s13+$0x6410] =	vst v1;
	v1 =	vmul.f32 $5.656854150e+00, v3  }
0x4c: {  	v9 =	vld [tilespmem:s13+$0x6490];
	[tilespmem:s13+$0x6420] =	vst v0;
	v0 =	vmul.f32 $5.656854150e+00, v4  }
0x4d: {  	v2 =	vmul.f32 $5.656854150e+00, v5;
	[tilespmem:s13+$0x6430] =	vst v1;
	v1 =	vld [tilespmem:s13+$0x64A0]  }
0x4e: {  	v3 =	vmul.f32 $5.656854150e+00, v6;
	[tilespmem:s13+$0x6440] =	vst v0;
	v0 =	vld [tilespmem:s13+$0x64B0]  }
0x4f: {  	[tilespmem:s13+$0x6450] =	vst v2;
	v2 =	vld [tilespmem:s13+$0x64C0];
	v4 =	vmul.f32 $5.656854150e+00, v7  }
0x50: {  	v6 =	vmul.f32 $5.656854150e+00, v8;
	[tilespmem:s13+$0x6460] =	vst v3;
	v3 =	vld [tilespmem:s13+$0x64D0]  }
0x51: {  	s15 =	simm.s32 $0x400;
	v5 =	vmul.f32 $5.656854150e+00, v9;
	[tilespmem:s13+$0x6470] =	vst v4;
	v4 =	vld [tilespmem:s13+$0x64E0]  }
.LBB2_3:
0x52: {  	s17 =	sshra.s32 s15, $0x2;
	p0 =	sne.s32 s15, $0x27C00;
	[tilespmem:s13+$0x6480] =	vst v6;
	v1 =	vmul.f32 $5.656854150e+00, v1;
	v6 =	vld [tilespmem:s13+$0x64F0]  }
0x53: {  	v7 =	vld [tilespmem:s17+$0x6400];
	[tilespmem:s13+$0x6490] =	vst v5;
	v0 =	vmul.f32 $5.656854150e+00, v0  }
0x54: {  	v5 =	vld [tilespmem:s17+$0x6410];
	[tilespmem:s13+$0x64A0] =	vst v1;
	v1 =	vmul.f32 $5.656854150e+00, v2  }
0x55: {  	v2 =	vld [tilespmem:s17+$0x6420];
	[tilespmem:s13+$0x64B0] =	vst v0;
	v0 =	vmul.f32 $5.656854150e+00, v3  }
0x56: {  	v3 =	vld [tilespmem:s17+$0x6430];
	[tilespmem:s13+$0x64C0] =	vst v1;
	v1 =	vmul.f32 $5.656854150e+00, v4  }
0x57: {  	v4 =	vld [tilespmem:s17+$0x6440];
	[tilespmem:s13+$0x64D0] =	vst v0;
	v0 =	vmul.f32 $5.656854150e+00, v6  }
0x58: {  	v6 =	vmul.f32 $5.656854150e+00, v7;
	v7 =	vld [tilespmem:s17+$0x6450];
	[tilespmem:s13+$0x64E0] =	vst v1  }
0x59: {  	v1 =	vmul.f32 $5.656854150e+00, v5;
	v5 =	vld [tilespmem:s17+$0x6460];
	[tilespmem:s13+$0x64F0] =	vst v0;
	s13 =	smov.u32 s17  }
0x5a: {  	[tilespmem:s13+$0x6400] =	vst v6;
	v0 =	vmul.f32 $5.656854150e+00, v2;
	v2 =	vld [tilespmem:s13+$0x6470]  }
0x5b: {  	[tilespmem:s13+$0x6410] =	vst v1;
	v1 =	vmul.f32 $5.656854150e+00, v3;
	v3 =	vld [tilespmem:s13+$0x6480]  }
0x5c: {  	[tilespmem:s13+$0x6420] =	vst v0;
	v0 =	vmul.f32 $5.656854150e+00, v4;
	v4 =	vld [tilespmem:s13+$0x6490]  }
.Ltmp0:
0x5d: {  	[tilespmem:s13+$0x6430] =	vst v1;
	v6 =	vmul.f32 $5.656854150e+00, v7;
	v1 =	vld [tilespmem:s13+$0x64A0];
	(pc) =	sbr.rel @p0 .LBB2_3-.Ltmp0, $4  }
0x5e: {  	[tilespmem:s13+$0x6440] =	vst v0;
	v5 =	vmul.f32 $5.656854150e+00, v5;
	v0 =	vld [tilespmem:s13+$0x64B0]  }
0x5f: {  	[tilespmem:s13+$0x6450] =	vst v6;
	v7 =	vmul.f32 $5.656854150e+00, v2;
	v2 =	vld [tilespmem:s13+$0x64C0]  }
0x60: {  	[tilespmem:s13+$0x6460] =	vst v5;
	v6 =	vmul.f32 $5.656854150e+00, v3;
	v3 =	vld [tilespmem:s13+$0x64D0]  }
0x61: {  	s15 =	sadd.s32 $0x400, s15;
	[tilespmem:s13+$0x6470] =	vst v7;
	v5 =	vmul.f32 $5.656854150e+00, v4;
	v4 =	vld [tilespmem:s13+$0x64E0]  }
0x62: {  	[tilespmem:s13+$0x6480] =	vst v6;
	v1 =	vmul.f32 $5.656854150e+00, v1;
	v6 =	vld [tilespmem:s13+$0x64F0]  }
0x63: {  	[tilespmem:s13+$0x6490] =	vst v5;
	v0 =	vmul.f32 $5.656854150e+00, v0  }
0x64: {  	[tilespmem:s13+$0x64A0] =	vst v1;
	v1 =	vmul.f32 $5.656854150e+00, v2  }
0x65: {  	[tilespmem:s13+$0x64B0] =	vst v0;
	v0 =	vmul.f32 $5.656854150e+00, v3  }
0x66: {  	[tilespmem:s13+$0x64C0] =	vst v1;
	v1 =	vmul.f32 $5.656854150e+00, v4  }
0x67: {  	s15 =	sadd.s32 s4, s7;
	[tilespmem:s13+$0x64D0] =	vst v0;
	v0 =	vmul.f32 $5.656854150e+00, v6  }
0x68: {  	s15 =	sshll.u32 s15, $0x2;
	[tilespmem:s13+$0x64E0] =	vst v1  }
0x69: {  	s17 =	simm.s32 $0x0;
	s15 =	sadd.s32 s2, s15;
	[tilespmem:s13+$0x64F0] =	vst v0  }
0x6a: {  	[hbm4b:s15+s17] =	stream.linear.scatter [tilespmem:s12], [sflag:$0x3], $0xA000, $0x38;
	[tilespmem:$0x1A400] =	vst v63  }
0x6b: {  	_ =	swait.ge [sflag:s10], $0xA000  }
0x6c: {  	[sflag:s10] =	ssyncset.done $0x0  }
0x6d: {  	s17 =	sadd.s32 $0xA00, s7;
	[sflag:s10] =	ssyncadd.s32 $0xFFFF6000  }
0x6e: {  	[tilespmem:s12], [sflag:$0x1] =	stream.indirect.gather [hbm4b:s5+s11], $0x20, s17, s11, $0xb8;
	[tilespmem:$0x1A400] =	vst v63  }
0x6f: {  	s15 =	sadd.s32 $0xA80, s7;
	s17 =	simm.s32 $0x7400  }
0x70: {  	[tilespmem:s17], [sflag:$0x1] =	stream.indirect.gather [hbm4b:s5+s11], $0x20, s15, s11, $0xb8;
	[tilespmem:$0x1A400] =	vst v63  }
0x71: {  	s15 =	sadd.s32 $0xB00, s7;
	s17 =	simm.s32 $0x8400  }
0x72: {  	[tilespmem:s17], [sflag:$0x1] =	stream.indirect.gather [hbm4b:s5+s11], $0x20, s15, s11, $0xb8;
	[tilespmem:$0x1A400] =	vst v63  }
0x73: {  	s15 =	sadd.s32 $0xB80, s7;
	s17 =	simm.s32 $0x9400  }
0x74: {  	[tilespmem:s17], [sflag:$0x1] =	stream.indirect.gather [hbm4b:s5+s11], $0x20, s15, s11, $0xb8;
	[tilespmem:$0x1A400] =	vst v63  }
0x75: {  	s15 =	sadd.s32 $0xC00, s7  }
0x76: {  	[tilespmem:s19], [sflag:$0x1] =	stream.indirect.gather [hbm4b:s5+s11], $0x20, s15, s11, $0xb8;
	[tilespmem:$0x1A400] =	vst v63  }
0x77: {  	s17 =	sadd.s32 $0xC80, s7  }
0x78: {  	[tilespmem:s21], [sflag:$0x1] =	stream.indirect.gather [hbm4b:s5+s11], $0x20, s17, s11, $0xb8;
	[tilespmem:$0x1A400] =	vst v63  }
0x79: {  	s15 =	sadd.s32 $0xD00, s7  }
0x7a: {  	[tilespmem:s23], [sflag:$0x1] =	stream.indirect.gather [hbm4b:s5+s11], $0x20, s15, s11, $0xb8;
	[tilespmem:$0x1A400] =	vst v63  }
0x7b: {  	s17 =	sadd.s32 $0xD80, s7  }
0x7c: {  	[tilespmem:s25], [sflag:$0x1] =	stream.indirect.gather [hbm4b:s5+s11], $0x20, s17, s11, $0xb8;
	[tilespmem:$0x1A400] =	vst v63  }
0x7d: {  	s15 =	sadd.s32 $0xE00, s7  }
0x7e: {  	[tilespmem:s28], [sflag:$0x1] =	stream.indirect.gather [hbm4b:s5+s11], $0x20, s15, s11, $0xb8;
	[tilespmem:$0x1A400] =	vst v63  }
0x7f: {  	s17 =	sadd.s32 $0xE80, s7  }
0x80: {  	[tilespmem:s30], [sflag:$0x1] =	stream.indirect.gather [hbm4b:s5+s11], $0x20, s17, s11, $0xb8;
	[tilespmem:$0x1A400] =	vst v63  }
0x81: {  	_ =	swait.ge [sflag:s6], $0xA000  }
0x82: {  	[sflag:s6] =	ssyncset.done $0x0  }
0x83: {  	s7 =	simm.s32 $0x0;
	[sflag:s6] =	ssyncadd.s32 $0xFFFF6000  }
0x84: {  	v0 =	vld [tilespmem:s7+$0x10400]  }
0x85: {  	v1 =	vld [tilespmem:s7+$0x10410]  }
0x86: {  	v2 =	vld [tilespmem:s7+$0x10420]  }
0x87: {  	v3 =	vld [tilespmem:s7+$0x10430]  }
0x88: {  	v4 =	vld [tilespmem:s7+$0x10440]  }
0x89: {  	v5 =	vld [tilespmem:s7+$0x10450];
	v0 =	vmul.f32 $5.656854150e+00, v0  }
0x8a: {  	v6 =	vld [tilespmem:s7+$0x10460];
	v1 =	vmul.f32 $5.656854150e+00, v1  }
0x8b: {  	v7 =	vld [tilespmem:s7+$0x10470];
	[tilespmem:s7+$0x10400] =	vst v0;
	v0 =	vmul.f32 $5.656854150e+00, v2  }
0x8c: {  	v8 =	vld [tilespmem:s7+$0x10480];
	[tilespmem:s7+$0x10410] =	vst v1;
	v1 =	vmul.f32 $5.656854150e+00, v3  }
0x8d: {  	v9 =	vld [tilespmem:s7+$0x10490];
	[tilespmem:s7+$0x10420] =	vst v0;
	v0 =	vmul.f32 $5.656854150e+00, v4  }
0x8e: {  	v2 =	vmul.f32 $5.656854150e+00, v5;
	[tilespmem:s7+$0x10430] =	vst v1;
	v1 =	vld [tilespmem:s7+$0x104A0]  }
0x8f: {  	v3 =	vmul.f32 $5.656854150e+00, v6;
	[tilespmem:s7+$0x10440] =	vst v0;
	v0 =	vld [tilespmem:s7+$0x104B0]  }
0x90: {  	[tilespmem:s7+$0x10450] =	vst v2;
	v2 =	vld [tilespmem:s7+$0x104C0];
	v4 =	vmul.f32 $5.656854150e+00, v7  }
0x91: {  	v6 =	vmul.f32 $5.656854150e+00, v8;
	[tilespmem:s7+$0x10460] =	vst v3;
	v3 =	vld [tilespmem:s7+$0x104D0]  }
0x92: {  	s13 =	simm.s32 $0x400;
	v5 =	vmul.f32 $5.656854150e+00, v9;
	[tilespmem:s7+$0x10470] =	vst v4;
	v4 =	vld [tilespmem:s7+$0x104E0]  }
.LBB2_5:
0x93: {  	s15 =	sshra.s32 s13, $0x2;
	p0 =	sne.s32 s13, $0x27C00;
	[tilespmem:s7+$0x10480] =	vst v6;
	v1 =	vmul.f32 $5.656854150e+00, v1;
	v6 =	vld [tilespmem:s7+$0x104F0]  }
0x94: {  	v7 =	vld [tilespmem:s15+$0x10400];
	[tilespmem:s7+$0x10490] =	vst v5;
	v0 =	vmul.f32 $5.656854150e+00, v0  }
0x95: {  	v5 =	vld [tilespmem:s15+$0x10410];
	[tilespmem:s7+$0x104A0] =	vst v1;
	v1 =	vmul.f32 $5.656854150e+00, v2  }
0x96: {  	v2 =	vld [tilespmem:s15+$0x10420];
	[tilespmem:s7+$0x104B0] =	vst v0;
	v0 =	vmul.f32 $5.656854150e+00, v3  }
0x97: {  	v3 =	vld [tilespmem:s15+$0x10430];
	[tilespmem:s7+$0x104C0] =	vst v1;
	v1 =	vmul.f32 $5.656854150e+00, v4  }
0x98: {  	v4 =	vld [tilespmem:s15+$0x10440];
	[tilespmem:s7+$0x104D0] =	vst v0;
	v0 =	vmul.f32 $5.656854150e+00, v6  }
0x99: {  	v6 =	vmul.f32 $5.656854150e+00, v7;
	v7 =	vld [tilespmem:s15+$0x10450];
	[tilespmem:s7+$0x104E0] =	vst v1  }
0x9a: {  	v1 =	vmul.f32 $5.656854150e+00, v5;
	v5 =	vld [tilespmem:s15+$0x10460];
	[tilespmem:s7+$0x104F0] =	vst v0;
	s7 =	smov.u32 s15  }
0x9b: {  	[tilespmem:s7+$0x10400] =	vst v6;
	v0 =	vmul.f32 $5.656854150e+00, v2;
	v2 =	vld [tilespmem:s7+$0x10470]  }
0x9c: {  	[tilespmem:s7+$0x10410] =	vst v1;
	v1 =	vmul.f32 $5.656854150e+00, v3;
	v3 =	vld [tilespmem:s7+$0x10480]  }
0x9d: {  	[tilespmem:s7+$0x10420] =	vst v0;
	v0 =	vmul.f32 $5.656854150e+00, v4;
	v4 =	vld [tilespmem:s7+$0x10490]  }
.Ltmp1:
0x9e: {  	[tilespmem:s7+$0x10430] =	vst v1;
	v6 =	vmul.f32 $5.656854150e+00, v7;
	v1 =	vld [tilespmem:s7+$0x104A0];
	(pc) =	sbr.rel @p0 .LBB2_5-.Ltmp1, $4  }
0x9f: {  	[tilespmem:s7+$0x10440] =	vst v0;
	v5 =	vmul.f32 $5.656854150e+00, v5;
	v0 =	vld [tilespmem:s7+$0x104B0]  }
0xa0: {  	[tilespmem:s7+$0x10450] =	vst v6;
	v7 =	vmul.f32 $5.656854150e+00, v2;
	v2 =	vld [tilespmem:s7+$0x104C0]  }
0xa1: {  	[tilespmem:s7+$0x10460] =	vst v5;
	v6 =	vmul.f32 $5.656854150e+00, v3;
	v3 =	vld [tilespmem:s7+$0x104D0]  }
0xa2: {  	s13 =	sadd.s32 $0x400, s13;
	[tilespmem:s7+$0x10470] =	vst v7;
	v5 =	vmul.f32 $5.656854150e+00, v4;
	v4 =	vld [tilespmem:s7+$0x104E0]  }
0xa3: {  	[tilespmem:s7+$0x10480] =	vst v6;
	v1 =	vmul.f32 $5.656854150e+00, v1;
	v59 =	vld [tilespmem:s7+$0x104F0]  }
0xa4: {  	[tilespmem:s7+$0x10490] =	vst v5;
	v0 =	vmul.f32 $5.656854150e+00, v0  }
0xa5: {  	[tilespmem:s7+$0x104A0] =	vst v1;
	v60 =	vmul.f32 $5.656854150e+00, v2  }
0xa6: {  	[tilespmem:s7+$0x104B0] =	vst v0;
	v61 =	vmul.f32 $5.656854150e+00, v3  }
0xa7: {  	s9 =	sadd.s32 s4, s9;
	[tilespmem:s7+$0x104C0] =	vst v60;
	v62 =	vmul.f32 $5.656854150e+00, v4  }
0xa8: {  	s8 =	sadd.s32 $0x1, s8;
	s9 =	sshll.u32 s9, $0x2;
	[tilespmem:s7+$0x104D0] =	vst v61;
	v63 =	vmul.f32 $5.656854150e+00, v59  }
0xa9: {  	p0 =	sne.s32 s8, $0x9;
	s9 =	sand.u32 $0x1FFFFC00, s9;
	[tilespmem:s7+$0x104E0] =	vst v62  }
.Ltmp2:
0xaa: {  	s17 =	sadd.s32 s2, s9;
	[tilespmem:s7+$0x104F0] =	vst v63;
	(pc) =	sbr.rel @p0 .LBB2_2-.Ltmp2, $4  }
0xab: {  	[hbm4b:s17+s3] =	stream.linear.scatter [tilespmem:s31], [sflag:$0x3], $0xA000, $0x38;
	[tilespmem:$0x1A400] =	vst v63  }
0xac: {  	_ =	swait.ge [sflag:s10], $0xA000  }
0xad: {  	[sflag:s10] =	ssyncset.done $0x0  }
0xae: {  	[sflag:s10] =	ssyncadd.s32 $0xFFFF6000  }
0xaf: {  	s7 =	simm.s32 $0x5F00  }
0xb0: {  	[tilespmem:s31], [sflag:$0x2] =	stream.indirect.gather [hbm4b:s5+s11], $0x20, s7, s11, $0xb8;
	[tilespmem:$0x1A400] =	vst v63  }
0xb1: {  	s9 =	simm.s32 $0x5F80  }
0xb2: {  	[tilespmem:s1], [sflag:$0x2] =	stream.indirect.gather [hbm4b:s5+s11], $0x20, s9, s11, $0xb8;
	[tilespmem:$0x1A400] =	vst v63  }
0xb3: {  	s13 =	simm.s32 $0x6000  }
0xb4: {  	[tilespmem:s0], [sflag:$0x2] =	stream.indirect.gather [hbm4b:s5+s11], $0x20, s13, s11, $0xb8;
	[tilespmem:$0x1A400] =	vst v63  }
0xb5: {  	s15 =	simm.s32 $0x6080  }
0xb6: {  	[tilespmem:s14], [sflag:$0x2] =	stream.indirect.gather [hbm4b:s5+s11], $0x20, s15, s11, $0xb8;
	[tilespmem:$0x1A400] =	vst v63  }
0xb7: {  	s17 =	simm.s32 $0x6100  }
0xb8: {  	[tilespmem:s16], [sflag:$0x2] =	stream.indirect.gather [hbm4b:s5+s11], $0x20, s17, s11, $0xb8;
	[tilespmem:$0x1A400] =	vst v63  }
0xb9: {  	s8 =	simm.s32 $0x6180  }
0xba: {  	[tilespmem:s18], [sflag:$0x2] =	stream.indirect.gather [hbm4b:s5+s11], $0x20, s8, s11, $0xb8;
	[tilespmem:$0x1A400] =	vst v63  }
0xbb: {  	s9 =	simm.s32 $0x6200  }
0xbc: {  	[tilespmem:s20], [sflag:$0x2] =	stream.indirect.gather [hbm4b:s5+s11], $0x20, s9, s11, $0xb8;
	[tilespmem:$0x1A400] =	vst v63  }
0xbd: {  	s13 =	simm.s32 $0x6280  }
0xbe: {  	[tilespmem:s22], [sflag:$0x2] =	stream.indirect.gather [hbm4b:s5+s11], $0x20, s13, s11, $0xb8;
	[tilespmem:$0x1A400] =	vst v63  }
0xbf: {  	s15 =	simm.s32 $0x6300  }
0xc0: {  	[tilespmem:s24], [sflag:$0x2] =	stream.indirect.gather [hbm4b:s5+s11], $0x20, s15, s11, $0xb8;
	[tilespmem:$0x1A400] =	vst v63  }
0xc1: {  	s17 =	simm.s32 $0x6380  }
0xc2: {  	[tilespmem:s26], [sflag:$0x2] =	stream.indirect.gather [hbm4b:s5+s11], $0x20, s17, s11, $0xb8;
	[tilespmem:$0x1A400] =	vst v63  }
0xc3: {  	_ =	swait.ge [sflag:s29], $0xA000  }
0xc4: {  	[sflag:s29] =	ssyncset.done $0x0  }
0xc5: {  	s7 =	simm.s32 $0x0;
	[sflag:s29] =	ssyncadd.s32 $0xFFFF6000  }
0xc6: {  	v0 =	vld [tilespmem:s7+$0x6400]  }
0xc7: {  	v1 =	vld [tilespmem:s7+$0x6410]  }
0xc8: {  	v2 =	vld [tilespmem:s7+$0x6420]  }
0xc9: {  	v3 =	vld [tilespmem:s7+$0x6430]  }
0xca: {  	v4 =	vld [tilespmem:s7+$0x6440]  }
0xcb: {  	v5 =	vld [tilespmem:s7+$0x6450];
	v0 =	vmul.f32 $5.656854150e+00, v0  }
0xcc: {  	v6 =	vld [tilespmem:s7+$0x6460];
	v1 =	vmul.f32 $5.656854150e+00, v1  }
0xcd: {  	v7 =	vld [tilespmem:s7+$0x6470];
	[tilespmem:s7+$0x6400] =	vst v0;
	v0 =	vmul.f32 $5.656854150e+00, v2  }
0xce: {  	v8 =	vld [tilespmem:s7+$0x6480];
	[tilespmem:s7+$0x6410] =	vst v1;
	v1 =	vmul.f32 $5.656854150e+00, v3  }
0xcf: {  	v9 =	vld [tilespmem:s7+$0x6490];
	[tilespmem:s7+$0x6420] =	vst v0;
	v0 =	vmul.f32 $5.656854150e+00, v4  }
0xd0: {  	v2 =	vmul.f32 $5.656854150e+00, v5;
	[tilespmem:s7+$0x6430] =	vst v1;
	v1 =	vld [tilespmem:s7+$0x64A0]  }
0xd1: {  	v3 =	vmul.f32 $5.656854150e+00, v6;
	[tilespmem:s7+$0x6440] =	vst v0;
	v0 =	vld [tilespmem:s7+$0x64B0]  }
0xd2: {  	[tilespmem:s7+$0x6450] =	vst v2;
	v2 =	vld [tilespmem:s7+$0x64C0];
	v4 =	vmul.f32 $5.656854150e+00, v7  }
0xd3: {  	v6 =	vmul.f32 $5.656854150e+00, v8;
	[tilespmem:s7+$0x6460] =	vst v3;
	v3 =	vld [tilespmem:s7+$0x64D0]  }
0xd4: {  	s8 =	simm.s32 $0x400;
	v5 =	vmul.f32 $5.656854150e+00, v9;
	[tilespmem:s7+$0x6470] =	vst v4;
	v4 =	vld [tilespmem:s7+$0x64E0]  }
.LBB2_8:
0xd5: {  	s9 =	sshra.s32 s8, $0x2;
	p0 =	sne.s32 s8, $0x27C00;
	[tilespmem:s7+$0x6480] =	vst v6;
	v1 =	vmul.f32 $5.656854150e+00, v1;
	v6 =	vld [tilespmem:s7+$0x64F0]  }
0xd6: {  	v7 =	vld [tilespmem:s9+$0x6400];
	[tilespmem:s7+$0x6490] =	vst v5;
	v0 =	vmul.f32 $5.656854150e+00, v0  }
0xd7: {  	v5 =	vld [tilespmem:s9+$0x6410];
	[tilespmem:s7+$0x64A0] =	vst v1;
	v1 =	vmul.f32 $5.656854150e+00, v2  }
0xd8: {  	v2 =	vld [tilespmem:s9+$0x6420];
	[tilespmem:s7+$0x64B0] =	vst v0;
	v0 =	vmul.f32 $5.656854150e+00, v3  }
0xd9: {  	v3 =	vld [tilespmem:s9+$0x6430];
	[tilespmem:s7+$0x64C0] =	vst v1;
	v1 =	vmul.f32 $5.656854150e+00, v4  }
0xda: {  	v4 =	vld [tilespmem:s9+$0x6440];
	[tilespmem:s7+$0x64D0] =	vst v0;
	v0 =	vmul.f32 $5.656854150e+00, v6  }
0xdb: {  	v6 =	vmul.f32 $5.656854150e+00, v7;
	v7 =	vld [tilespmem:s9+$0x6450];
	[tilespmem:s7+$0x64E0] =	vst v1  }
0xdc: {  	v1 =	vmul.f32 $5.656854150e+00, v5;
	v5 =	vld [tilespmem:s9+$0x6460];
	[tilespmem:s7+$0x64F0] =	vst v0;
	s7 =	smov.u32 s9  }
0xdd: {  	[tilespmem:s7+$0x6400] =	vst v6;
	v0 =	vmul.f32 $5.656854150e+00, v2;
	v2 =	vld [tilespmem:s7+$0x6470]  }
0xde: {  	[tilespmem:s7+$0x6410] =	vst v1;
	v1 =	vmul.f32 $5.656854150e+00, v3;
	v3 =	vld [tilespmem:s7+$0x6480]  }
0xdf: {  	[tilespmem:s7+$0x6420] =	vst v0;
	v0 =	vmul.f32 $5.656854150e+00, v4;
	v4 =	vld [tilespmem:s7+$0x6490]  }
.Ltmp3:
0xe0: {  	[tilespmem:s7+$0x6430] =	vst v1;
	v6 =	vmul.f32 $5.656854150e+00, v7;
	v1 =	vld [tilespmem:s7+$0x64A0];
	(pc) =	sbr.rel @p0 .LBB2_8-.Ltmp3, $4  }
0xe1: {  	[tilespmem:s7+$0x6440] =	vst v0;
	v5 =	vmul.f32 $5.656854150e+00, v5;
	v0 =	vld [tilespmem:s7+$0x64B0]  }
0xe2: {  	[tilespmem:s7+$0x6450] =	vst v6;
	v7 =	vmul.f32 $5.656854150e+00, v2;
	v2 =	vld [tilespmem:s7+$0x64C0]  }
0xe3: {  	[tilespmem:s7+$0x6460] =	vst v5;
	v6 =	vmul.f32 $5.656854150e+00, v3;
	v3 =	vld [tilespmem:s7+$0x64D0]  }
0xe4: {  	s8 =	sadd.s32 $0x400, s8;
	[tilespmem:s7+$0x6470] =	vst v7;
	v5 =	vmul.f32 $5.656854150e+00, v4;
	v4 =	vld [tilespmem:s7+$0x64E0]  }
0xe5: {  	[tilespmem:s7+$0x6480] =	vst v6;
	v1 =	vmul.f32 $5.656854150e+00, v1;
	v6 =	vld [tilespmem:s7+$0x64F0]  }
0xe6: {  	[tilespmem:s7+$0x6490] =	vst v5;
	v0 =	vmul.f32 $5.656854150e+00, v0  }
0xe7: {  	[tilespmem:s7+$0x64A0] =	vst v1;
	v1 =	vmul.f32 $5.656854150e+00, v2  }
0xe8: {  	[tilespmem:s7+$0x64B0] =	vst v0;
	v0 =	vmul.f32 $5.656854150e+00, v3  }
0xe9: {  	[tilespmem:s7+$0x64C0] =	vst v1;
	v1 =	vmul.f32 $5.656854150e+00, v4  }
0xea: {  	[tilespmem:s7+$0x64D0] =	vst v0;
	v0 =	vmul.f32 $5.656854150e+00, v6  }
0xeb: {  	[tilespmem:s7+$0x64E0] =	vst v1  }
0xec: {  	s17 =	simm.s32 $0x0;
	s8 =	rddreg [dreg:$0x4];
	[tilespmem:s7+$0x64F0] =	vst v0  }
0xed: {  	[hbm4b:s8+s17] =	stream.linear.scatter [tilespmem:s12], [sflag:$0x3], $0xA000, $0x38;
	[tilespmem:$0x1A400] =	vst v63  }
0xee: {  	_ =	swait.ge [sflag:s10], $0xA000  }
0xef: {  	[sflag:s10] =	ssyncset.done $0x0  }
0xf0: {  	[sflag:s10] =	ssyncadd.s32 $0xFFFF6000  }
0xf1: {  	_ =	swait.ge [sflag:s6], $0xA000  }
0xf2: {  	[sflag:s6] =	ssyncset.done $0x0  }
0xf3: {  	s7 =	simm.s32 $0x0;
	[sflag:s6] =	ssyncadd.s32 $0xFFFF6000  }
0xf4: {  	v0 =	vld [tilespmem:s7+$0x10400]  }
0xf5: {  	v1 =	vld [tilespmem:s7+$0x10410]  }
0xf6: {  	v2 =	vld [tilespmem:s7+$0x10420]  }
0xf7: {  	v3 =	vld [tilespmem:s7+$0x10430]  }
0xf8: {  	v4 =	vld [tilespmem:s7+$0x10440]  }
0xf9: {  	v5 =	vld [tilespmem:s7+$0x10450];
	v0 =	vmul.f32 $5.656854150e+00, v0  }
0xfa: {  	v6 =	vld [tilespmem:s7+$0x10460];
	v1 =	vmul.f32 $5.656854150e+00, v1  }
0xfb: {  	v7 =	vld [tilespmem:s7+$0x10470];
	[tilespmem:s7+$0x10400] =	vst v0;
	v0 =	vmul.f32 $5.656854150e+00, v2  }
0xfc: {  	v8 =	vld [tilespmem:s7+$0x10480];
	[tilespmem:s7+$0x10410] =	vst v1;
	v1 =	vmul.f32 $5.656854150e+00, v3  }
0xfd: {  	v9 =	vld [tilespmem:s7+$0x10490];
	[tilespmem:s7+$0x10420] =	vst v0;
	v0 =	vmul.f32 $5.656854150e+00, v4  }
0xfe: {  	v2 =	vmul.f32 $5.656854150e+00, v5;
	[tilespmem:s7+$0x10430] =	vst v1;
	v1 =	vld [tilespmem:s7+$0x104A0]  }
0xff: {  	v3 =	vmul.f32 $5.656854150e+00, v6;
	[tilespmem:s7+$0x10440] =	vst v0;
	v0 =	vld [tilespmem:s7+$0x104B0]  }
0x100: {  	[tilespmem:s7+$0x10450] =	vst v2;
	v2 =	vld [tilespmem:s7+$0x104C0];
	v4 =	vmul.f32 $5.656854150e+00, v7  }
0x101: {  	v6 =	vmul.f32 $5.656854150e+00, v8;
	[tilespmem:s7+$0x10460] =	vst v3;
	v3 =	vld [tilespmem:s7+$0x104D0]  }
0x102: {  	s8 =	simm.s32 $0x400;
	v5 =	vmul.f32 $5.656854150e+00, v9;
	[tilespmem:s7+$0x10470] =	vst v4;
	v4 =	vld [tilespmem:s7+$0x104E0]  }
.LBB2_10:
0x103: {  	s9 =	sshra.s32 s8, $0x2;
	p0 =	sne.s32 s8, $0x27C00;
	[tilespmem:s7+$0x10480] =	vst v6;
	v1 =	vmul.f32 $5.656854150e+00, v1;
	v6 =	vld [tilespmem:s7+$0x104F0]  }
0x104: {  	v7 =	vld [tilespmem:s9+$0x10400];
	[tilespmem:s7+$0x10490] =	vst v5;
	v0 =	vmul.f32 $5.656854150e+00, v0  }
0x105: {  	v5 =	vld [tilespmem:s9+$0x10410];
	[tilespmem:s7+$0x104A0] =	vst v1;
	v1 =	vmul.f32 $5.656854150e+00, v2  }
0x106: {  	v2 =	vld [tilespmem:s9+$0x10420];
	[tilespmem:s7+$0x104B0] =	vst v0;
	v0 =	vmul.f32 $5.656854150e+00, v3  }
0x107: {  	v3 =	vld [tilespmem:s9+$0x10430];
	[tilespmem:s7+$0x104C0] =	vst v1;
	v1 =	vmul.f32 $5.656854150e+00, v4  }
0x108: {  	v4 =	vld [tilespmem:s9+$0x10440];
	[tilespmem:s7+$0x104D0] =	vst v0;
	v0 =	vmul.f32 $5.656854150e+00, v6  }
0x109: {  	v6 =	vmul.f32 $5.656854150e+00, v7;
	v7 =	vld [tilespmem:s9+$0x10450];
	[tilespmem:s7+$0x104E0] =	vst v1  }
0x10a: {  	v1 =	vmul.f32 $5.656854150e+00, v5;
	v5 =	vld [tilespmem:s9+$0x10460];
	[tilespmem:s7+$0x104F0] =	vst v0;
	s7 =	smov.u32 s9  }
0x10b: {  	[tilespmem:s7+$0x10400] =	vst v6;
	v0 =	vmul.f32 $5.656854150e+00, v2;
	v2 =	vld [tilespmem:s7+$0x10470]  }
0x10c: {  	[tilespmem:s7+$0x10410] =	vst v1;
	v1 =	vmul.f32 $5.656854150e+00, v3;
	v3 =	vld [tilespmem:s7+$0x10480]  }
0x10d: {  	[tilespmem:s7+$0x10420] =	vst v0;
	v0 =	vmul.f32 $5.656854150e+00, v4;
	v4 =	vld [tilespmem:s7+$0x10490]  }
.Ltmp4:
0x10e: {  	[tilespmem:s7+$0x10430] =	vst v1;
	v6 =	vmul.f32 $5.656854150e+00, v7;
	v1 =	vld [tilespmem:s7+$0x104A0];
	(pc) =	sbr.rel @p0 .LBB2_10-.Ltmp4, $4  }
0x10f: {  	[tilespmem:s7+$0x10440] =	vst v0;
	v5 =	vmul.f32 $5.656854150e+00, v5;
	v0 =	vld [tilespmem:s7+$0x104B0]  }
0x110: {  	[tilespmem:s7+$0x10450] =	vst v6;
	v7 =	vmul.f32 $5.656854150e+00, v2;
	v2 =	vld [tilespmem:s7+$0x104C0]  }
0x111: {  	[tilespmem:s7+$0x10460] =	vst v5;
	v6 =	vmul.f32 $5.656854150e+00, v3;
	v3 =	vld [tilespmem:s7+$0x104D0]  }
0x112: {  	s8 =	sadd.s32 $0x400, s8;
	[tilespmem:s7+$0x10470] =	vst v7;
	v5 =	vmul.f32 $5.656854150e+00, v4;
	v4 =	vld [tilespmem:s7+$0x104E0]  }
0x113: {  	[tilespmem:s7+$0x10480] =	vst v6;
	v1 =	vmul.f32 $5.656854150e+00, v1;
	v59 =	vld [tilespmem:s7+$0x104F0]  }
0x114: {  	[tilespmem:s7+$0x10490] =	vst v5;
	v0 =	vmul.f32 $5.656854150e+00, v0  }
0x115: {  	[tilespmem:s7+$0x104A0] =	vst v1;
	v60 =	vmul.f32 $5.656854150e+00, v2  }
0x116: {  	[tilespmem:s7+$0x104B0] =	vst v0;
	v61 =	vmul.f32 $5.656854150e+00, v3  }
0x117: {  	[tilespmem:s7+$0x104C0] =	vst v60;
	v62 =	vmul.f32 $5.656854150e+00, v4  }
0x118: {  	[tilespmem:s7+$0x104D0] =	vst v61;
	v63 =	vmul.f32 $5.656854150e+00, v59  }
0x119: {  	[tilespmem:s7+$0x104E0] =	vst v62  }
0x11a: {  	s15 =	rddreg [dreg:$0x5];
	[tilespmem:s7+$0x104F0] =	vst v63  }
0x11b: {  	[hbm4b:s15+s3] =	stream.linear.scatter [tilespmem:s31], [sflag:$0x3], $0xA000, $0x38;
	[tilespmem:$0x1A400] =	vst v63  }
0x11c: {  	_ =	swait.ge [sflag:s10], $0xA000  }
0x11d: {  	s8 =	rddreg [dreg:$0x7]  }
0x11e: {  	s17 =	rddreg [dreg:$0x6];
	s8 =	sadd.s32 $0x1, s8  }
0x11f: {  	p0 =	sne.s32 s8, s17  }
.Ltmp5:
0x120: {  	_ = 	snop;
	(pc) =	sbr.rel @p0 .LBB2_1-.Ltmp5, $3  }
0x121: {  	_ =	sdelay $0x1  }
0x122: {  	[sflag:s10] =	ssyncset.done $0x0  }
0x123: {  	[sflag:s10] =	ssyncadd.s32 $0xFFFF6000  }
0x124: {  	_ =	sfence.sel $0x180000  }
0x125: {  	[bflag:$0x0] =	sbarrier.arrive $0xFFFF  }
0x126: {  	_ =	strace $0x90000047  }
0x127: {  	s0 =	stileid.u32;
	[bflag:$0x2] =	sbarrier.arrive $0xFFFF  }
0x128: {  	p0 =	sne.s32 s0, $0x0;
	s0 =	rddreg [dreg:$0x2]  }
0x129: {  	s0 =	sadd.s32 @!p0 $0x100000, s0  }
0x12a: {  	[sflag:s0] =	ssyncadd.tile.s32 @!p0 $0x1;
	_ =	shalt  }
.Lfunc_end2:
_tile_overlayer_lowered:
.L_overlay_start_2:
0x12b: {  	(tag) =	ssettag $0x2  }
0x12c: {  	s0 =	rddreg [dreg:$0x0];
	s2 =	stileid.u32  }
0x12d: {  	s1 =	rddreg [dreg:$0x1];
	p0 =	sne.s32 s2, $0x0  }
0x12e: {  	s3 =	rddreg [dreg:$0x2];
	[bflag:$0x3] =	sbarrier.arrive $0xFFFF;
	s2 =	simm.s32 @!p0 $0x1C03  }
0x12f: {  	[timem:s3], [sflag:s2] =	dma.local @!p0 [hbm:s0], s1  }
0x130: {  	s0 =	simm.s32 @!p0 $0x3  }
0x131: {  	_ =	swait.ge @!p0 [sflag:s0], s1  }
0x132: {  	s1 =	ssub.s32 @!p0 $0x0, s1;
	[sflag:s0] =	ssyncset.done @!p0 $0x0  }
0x133: {  	[sflag:s0] =	ssyncadd.s32 @!p0 s1  }
0x134: {  	[bflag:$0x3] =	sbarrier.arrive $0xFFFF  }
0x135: {  	_ =	shalt  }

// kernel: sparse-core-data-format-call.cloned.1.call-start
scs
called_computation_lowered:
.L_overlay_start_0:
0x0: {  	s2 =	sld [smem:$0x3FD9]  }
0x1: {  	s3 =	sld [smem:$0x3FFE];
	_ =	sdelay $0x1  }
0x2: {  	s1 =	srdreg.scid  }
0x3: {  	s0 =	sand.u32 $0x1, s1  }
0x4: {  	s18 =	sshll.u32 s0, $0xA;
	s2 =	sadd.s32 s3, s2  }
0x5: {  	s2 =	sadd.s32 s2, s18  }
0x6: {  	[smem:$0x3FC6] =	sst s2  }
0x7: {  	_ = 	snop  }
0x8: {  	s2 =	sld [smem:$0x3FD0];
	(tm) =	ssettm $0x1  }
0x9: {  	s19 =	sld [smem:$0x3FFB];
	_ =	sdelay $0x3  }
0xa: {  	_ =	strace s19  }
0xb: {  	s3 =	sld [smem:$0x3FFC];
	_ =	sdelay $0x3  }
0xc: {  	_ =	strace s3  }
0xd: {  	s3 =	sld [smem:$0x3FFD];
	_ =	sdelay $0x3  }
0xe: {  	_ =	strace s3  }
0xf: {  	_ =	strace $0x8FFFFFFF  }
0x10: {  	s20 =	sld [smem:$0x3FDB];
	_ =	sdelay $0x1  }
0x11: {  	s4 =	simm.s32 $_scs_section_size  }
0x12: {  	s5 =	simm.s32 $_size__tile_overlayer_lowered;
	s6 =	simm.s32 $_tile_overlayer_lowered  }
0x13: {  	s23 =	simm.s32 $0x1BFF;
	s22 =	sshll.u32 s6, $0x1;
	s3 =	sadd.s32 s4, s20  }
0x14: {  	s7 =	simm.s32 $0x0;
	s21 =	sshll.u32 s5, $0x1;
	s5 =	sadd.s32 s22, s3  }
0x15: {  	[timem:s7], [sflag:s23] =	dma.local [hbm:s5], s21  }
0x16: {  	_ =	swait.ge [sflag:s23], s21  }
0x17: {  	s4 =	ssub.s32 $0x0, s21;
	[sflag:s23] =	ssyncset.done $0x0  }
0x18: {  	[sflag:s23] =	ssyncadd.s32 s4;
	_ =	sdelay $0x1  }
0x19: {  	s24 =	simm.s32 $0x1B8B  }
0x1a: {  	_ =	swait.ge [sflag:s24], $0x1  }
0x1b: {  	[sflag:s24] =	ssyncset.done $0x0  }
0x1c: {  	s26 =	simm.s32 $0x1B8E;
	s25 =	sld [smem:$0x3FFE];
	[sflag:s24] =	ssyncadd.s32 $0xFFFFFFFF  }
0x1d: {  	s27 =	simm.s32 $execute0_lowered;
	[smem:$0x3FD2] =	sst s26  }
0x1e: {  	s5 =	sshll.u32 s27, $0x1;
	_ =	strace $0x80000049;
	[dreg:$0x1] =	wrdreg $0xFFFFFFFF  }
0x1f: {  	s28 =	simm.s32 $_size_execute0_lowered;
	s3 =	sadd.s32 s3, s5;
	[dreg:$0x0] =	wrdreg $0x0  }
0x20: {  	s5 =	sshll.u32 s28, $0x1;
	[dreg:$0x2] =	wrdreg s3  }
0x21: {  	[dreg:$0x3] =	wrdreg s5  }
0x22: {  	[dreg:$0x4] =	wrdreg $0xC0  }
0x23: {  	_ =	task [dreg:s7], $0x5FFFF  }
0x24: {  	[dreg:$0x1] =	wrdreg $0xFFFFFFFF  }
0x25: {  	[dreg:$0x0] =	wrdreg $0x60  }
0x26: {  	[dreg:$0x2] =	wrdreg s25  }
0x27: {  	[dreg:$0x3] =	wrdreg s2  }
0x28: {  	[dreg:$0x4] =	wrdreg $0x9  }
0x29: {  	_ =	task.clear_ibuf [dreg:s7], $0x5FFFF;
	_ =	strace $0x90000049  }
0x2a: {  	s29 =	simm.s32 $0x9;
	_ =	strace $0x8000004B  }
0x2b: {  	_ =	swait.ge [sflag:s29], $0x1  }
0x2c: {  	[sflag:s29] =	ssyncadd.s32 $0xFFFFFFFF  }
0x2d: {  	_ =	strace $0x9000004B  }
0x2e: {  	_ =	sfence  }
0x2f: {  	s30 =	sld [smem:$0x0];
	_ =	sdelay $0x2  }
0x30: {  	s31 =	sshll.u32 s1, $0xD;
	s1 =	sshrl.u32 s1, $0x2  }
0x31: {  	s3 =	sand.u32 $0x4000, s31;
	s1 =	sadd.s32 s1, s30  }
0x32: {  	s0 =	sor.u32 s3, s0;
	s1 =	sshll.u32 s1, $0x11  }
0x33: {  	s0 =	sor.u32 s1, s0  }
0x34: {  	s0 =	sadd.s32 $0x8F2B, s0  }
0x35: {  	[sflag:s0] =	ssyncadd.remote.s32 $0x1  }
0x36: {  	_ =	sfence.sel $0xFFFF  }
0x37: {  	[dreg:$0x0] =	wrdreg $0xFFFFFFFF;
	(pc) =	sbr.abs _section_cstart, $3  }
0x38: {  	[dreg:$0x1] =	wrdreg $0xFFFFFFFF  }
0x39: {  	_ =	task.clear_ibuf [dreg:s7], $0x2FFFF;
	_ =	strace $0x9FFFFFFF  }
0x3a: {  	(tm) =	ssettm $0x7FFFFFFF  }
0x3b: {  	_ =	shalt  }
tec
execute0_lowered:
.L_overlay_start_1:
0x0: {  	(tag) =	ssettag $0x1  }
0x1: {  	s0 =	srdreg.scid  }
0x2: {  	s1 =	sshll.u32 s0, $0x4  }
0x3: {  	s0 =	stileid.u32;
	s1 =	sand.u32 $0x10, s1  }
0x4: {  	s1 =	sor.u32 s0, s1  }
0x5: {  	s6 =	rddreg [dreg:$0x0];
	s4 =	simm.s32 $0x1;
	s2 =	sshll.u32 s1, $0x7  }
0x6: {  	s7 =	simm.s32 $0x2;
	s12 =	simm.s32 $0x0;
	s1 =	ssub.s32 $0x1000, s2  }
0x7: {  	s8 =	simm.s32 $0x8000;
	s13 =	simm.s32 $0x0;
	s3 =	sand.u32 $0xF80, s1  }
0x8: {  	s9 =	simm.s32 $0x0;
	s5 =	sshrl.u32 s1, $0xC;
	p0 =	sne.s32 s3, $0x0  }
.Ltmp0:
0x9: {  	s1 =	rddreg [dreg:$0x2];
	s4 =	simm.s32 @!p0 $0x0;
	(pc) =	sbr.rel .LBB1_1-.Ltmp0, $4  }
0xa: {  	s11 =	simm.s32 $0x0;
	s3 =	rddreg [dreg:$0x1];
	s5 =	sadd.s32 s4, s5  }
0xb: {  	_ =	strace $0x8000004A;
	s4 =	simm.s32 $0x1;
	s5 =	smul.u32 $0xC8, s5  }
0xc: {  	s6 =	sadd.s32 $0xA00, s6;
	s10 =	smov.u32 s2;
	[sflag:s4] =	ssyncpa.u1 $0x0  }
0xd: {  	p0 =	por $0x0, $0x0;
	[sflag:s7] =	ssyncpa.u1 $0x0;
	s7 =	sor.u32 $0x1, s5  }
.LBB1_4:
0xe: {  	s16 =	sshll.u32 s13, $0x3;
	s17 =	sand.u32 $0x78, s13  }
0xf: {  	s30 =	sand.u32 $0x3E00, s13;
	s12 =	sshll.u32 s12, $0xE;
	s16 =	sand.u32 $0xC00, s16  }
0x10: {  	s31 =	sand.u32 $0x7, s13;
	s16 =	sor.u32 s17, s16;
	s17 =	sadd.s32 s3, s30  }
0x11: {  	s13 =	sshll.u32 s31, $0x12;
	s16 =	sshrl.u32 s16, $0x3;
	s12 =	sadd.s32 s12, s17  }
0x12: {  	[tilespmem:s15+$0x0 ss:$0x81] =	vst.msk $0xffff, v0;
	s13 =	sor.u32 $0x400, s13;
	s12 =	sadd.s32 s16, s12  }
0x13: {  	[hbm4b:s12+s13] =	stream.strided.scatter [tilespmem:s14], [sflag:$0x2], $0x1000, s8, s13, $0x20;
	[tilespmem:$0x4040] =	vst v63  }
.LBB1_5:
0x14: {  	s14 =	sadd.s32 $0x1, s9  }
0x15: {  	s12 =	sadd.s32 $0x1000, s10;
	s16 =	smov.u32 s10;
	p2 =	sgt.s32 s14, $0xC7  }
0x16: {  	s16 =	smov.u32 @p2 s12  }
0x17: {  	s14 =	simm.s32 @p2 $0x0;
	p2 =	sgt.s32 s16, $0xFFF  }
0x18: {  	s16 =	smov.u32 @p2 s2;
	p2 =	sne.s32 s11, s7  }
.Ltmp1:
0x19: {  	p1 =	slt.u32 s11, $0x2;
	(pc) =	sbr.rel @!p2 .LBB1_6-.Ltmp1, $4  }
0x1a: {  	s15 =	simm.s32 @!p1 $0x2  }
0x1b: {  	s13 =	smov.u32 s10;
	p0 =	por !p0, !p0;
	_ =	swait.ge @!p1 [sflag:s15], $0x1000  }
0x1c: {  	s12 =	smov.u32 s9;
	[sflag:s15] =	ssyncset.done @!p1 $0x0;
	s9 =	smov.u32 s14  }
0x1d: {  	s11 =	sadd.s32 $0x1, s11;
	[sflag:s15] =	ssyncadd.s32 @!p1 $0xFFFFF000;
	s10 =	smov.u32 s16  }
.LBB1_1:
0x1e: {  	p1 =	sge.u32 s11, s5  }
0x1f: {  	s14 =	sand.u32 @!p1 $0x1FFFFFF, s9  }
0x20: {  	s15 =	smulhi.u32 @!p1 $0x147AE15, s14;
	_ =	sdelay $0x1  }
0x21: {  	s15 =	smul.u32 @!p1 $0xC8, s15  }
0x22: {  	s16 =	sxor.u32 @!p1 $0xFFFFFFFF, s11;
	s17 =	smul.u32 @!p1 $0xC80, s10  }
0x23: {  	s31 =	sadd.s32 $0xFFFFFFFF, s11;
	s16 =	sshll.u32 @!p1 s16, $0xC;
	s14 =	ssub.s32 @!p1 s14, s15  }
0x24: {  	s15 =	sand.u32 @!p1 $0x1000, s16;
	s16 =	sadd.s32 @!p1 s6, s17;
	s14 =	sshll.u32 @!p1 s14, $0x4  }
0x25: {  	s17 =	simm.s32 @!p1 $0x6400;
	s14 =	sadd.s32 @!p1 s14, s16;
	s16 =	simm.s32 @!p1 $0x20  }
0x26: {  	[tilespmem:s15], [sflag:$0x1] =	stream.strided.gather @!p1 [hbm4b:s14+s16], $0x1000, s17, s16, $0x38;
	[tilespmem:$0x4040] =	vst v63  }
0x27: {  	p1 =	sge.u32 s31, s5  }
.Ltmp2:
0x28: {  	_ = 	snop;
	(pc) =	sbr.rel @p1 .LBB1_5-.Ltmp2, $1  }
0x29: {  	_ =	sdelay $0x3  }
0x2a: {  	s14 =	simm.s32 $0x1  }
0x2b: {  	_ =	swait.ge [sflag:s4], $0x1000;
	s14 =	simm.s32 @!p0 $0x0  }
0x2c: {  	[sflag:s4] =	ssyncset.done $0x0;
	s15 =	sshll.u32 s14, $0xC  }
0x2d: {  	[sflag:s4] =	ssyncadd.s32 $0xFFFFF000;
	s18 =	sor.u32 $0x10, s15  }
0x2e: {  	s14 =	smul.u32 $0x4080, s14;
	v1 =	vld [tilespmem:s18+$0x0]  }
0x2f: {  	s30 =	sand.u32 $0x1, s11;
	v0 =	vld [tilespmem:s18+$0xFFFFFFF0]  }
0x30: {  	s15 =	smul.u32 $0x4080, s30;
	s14 =	sshrl.u32 s14, $0x2  }
0x31: {  	s16 =	sor.u32 $0x2000, s14  }
0x32: {  	s31 =	sshrl.u32 s15, $0x2;
	s15 =	sadd.s32 $0x0, s16  }
0x33: {  	s17 =	simm.s32 $0x4;
	s18 =	sadd.s32 $0x20, s18;
	s14 =	sor.u32 $0x2000, s31;
	[tilespmem:s15+$0x810 ss:$0x81] =	vst.msk $0xffff, v1  }
.LBB1_3:
0x34: {  	v1 =	vld [tilespmem:s18+$0x0];
	p1 =	sne.s32 s17, $0x1FC;
	[tilespmem:s15+$0x0 ss:$0x81] =	vst.msk $0xffff, v0;
	s15 =	smov.u32 s17;
	s17 =	sadd.s32 $0x4, s17  }
.Ltmp3:
0x35: {  	v0 =	vld [tilespmem:s18+$0xFFFFFFF0];
	(pc) =	sbr.rel @p1 .LBB1_3-.Ltmp3, $4  }
0x36: {  	_ = 	snop  }
0x37: {  	s15 =	sshra.s32 s15, $0x2  }
0x38: {  	s15 =	sadd.s32 s15, s16  }
0x39: {  	s18 =	sadd.s32 $0x20, s18;
	[tilespmem:s15+$0x810 ss:$0x81] =	vst.msk $0xffff, v1  }
.Ltmp4:
0x3a: {  	_ = 	snop;
	(pc) =	sbr.rel .LBB1_4-.Ltmp4, $1  }
0x3b: {  	_ =	sdelay $0x3  }
.LBB1_6:
0x3c: {  	_ =	sfence.sel $0x180000  }
0x3d: {  	s2 =	simm.s32 $0x1;
	[bflag:$0x0] =	sbarrier.arrive $0xFFFF  }
0x3e: {  	s31 =	simm.s32 $0x2;
	[sflag:s2] =	ssyncpa.u1 $0x1  }
0x3f: {  	[sflag:s31] =	ssyncpa.u1 $0x1  }
0x40: {  	p0 =	sne.s32 s0, $0x0;
	_ =	strace $0x9000004A  }
0x41: {  	s0 =	sadd.s32 @!p0 $0x100000, s1;
	[bflag:$0x2] =	sbarrier.arrive $0xFFFF  }
0x42: {  	[sflag:s0] =	ssyncadd.tile.s32 @!p0 $0x1;
	_ =	shalt  }
.Lfunc_end1:
_tile_overlayer_lowered:
.L_overlay_start_2:
0x43: {  	(tag) =	ssettag $0x2  }
0x44: {  	s0 =	rddreg [dreg:$0x0];
	s2 =	stileid.u32  }
0x45: {  	s1 =	rddreg [dreg:$0x1];
	p0 =	sne.s32 s2, $0x0  }
0x46: {  	s3 =	rddreg [dreg:$0x2];
	[bflag:$0x3] =	sbarrier.arrive $0xFFFF;
	s2 =	simm.s32 @!p0 $0x1C01  }
0x47: {  	[timem:s3], [sflag:s2] =	dma.local @!p0 [hbm:s0], s1  }
0x48: {  	s0 =	simm.s32 @!p0 $0x1  }
0x49: {  	_ =	swait.ge @!p0 [sflag:s0], s1  }
0x4a: {  	s1 =	ssub.s32 @!p0 $0x0, s1;
	[sflag:s0] =	ssyncset.done @!p0 $0x0  }
0x4b: {  	[sflag:s0] =	ssyncadd.s32 @!p0 s1  }
0x4c: {  	[bflag:$0x3] =	sbarrier.arrive $0xFFFF  }
0x4d: {  	_ =	shalt  }

</sc_bundles>
